<compile_context>
chip_gen: v7x
topology: tpu7x:2x2x1
jax: 0.10.2.dev20260603
libtpu: 0.0.44.dev20260713+nightly
codegen_flags: <defaults>
</compile_context>

<pallas_src>
import functools

import jax
import jax.numpy as jnp
from jax import lax
from jax.experimental import pallas as pl
from jax.experimental.pallas import tpu as pltpu
from jax.experimental.pallas import tpu_sc as plsc

NC = 2
NS = 16
NW = NC * NS
CHUNK = 128


def _sc_mesh():
    return plsc.VectorSubcoreMesh(core_axis_name="c", subcore_axis_name="s")


def _deg_body(k, stripe, dst_hbm, ones_hbm, zeros_hbm, out_hbm,
              dst_v, ones_v, bounce_v, deg_sp):
    c = lax.axis_index("c")
    s = lax.axis_index("s")
    wid = s * NC + c
    pltpu.sync_copy(dst_hbm.at[wid], dst_v)
    pltpu.sync_copy(ones_hbm, ones_v)
    pltpu.sync_copy(zeros_hbm, bounce_v)
    for t in range(stripe // CHUNK):
        pltpu.sync_copy(bounce_v, deg_sp.at[pl.ds(s * stripe + t * CHUNK, CHUNK)])
    plsc.subcore_barrier()

    def body(j, carry):
        pltpu.sync_copy(ones_v, deg_sp.at[dst_v.at[j]], add=True)
        return carry

    lax.fori_loop(0, k, body, 0)
    plsc.subcore_barrier()
    for t in range(stripe // CHUNK):
        base = s * stripe + t * CHUNK
        pltpu.sync_copy(deg_sp.at[pl.ds(base, CHUNK)], bounce_v)
        pltpu.sync_copy(bounce_v, out_hbm.at[c, pl.ds(base, CHUNK)])


def _edge_body(k, stripe, hs_hbm, src_hbm, dst_hbm, zeros_hbm,
               out_hbm, src_v, dst_v, buf_a, acc_sp, sem_a):
    c = lax.axis_index("c")
    s = lax.axis_index("s")
    wid = s * NC + c
    pltpu.sync_copy(src_hbm.at[wid], src_v)
    pltpu.sync_copy(dst_hbm.at[wid], dst_v)
    pltpu.sync_copy(zeros_hbm, buf_a)
    for t in range(stripe // CHUNK):
        pltpu.sync_copy(buf_a, acc_sp.at[pl.ds(s * stripe + t * CHUNK, CHUNK)])
    plsc.subcore_barrier()

    def body(j, carry):
        pltpu.async_copy(hs_hbm.at[src_v.at[j]], buf_a, sem_a).wait()
        pltpu.sync_copy(buf_a, acc_sp.at[dst_v.at[j]], add=True)
        return carry

    lax.fori_loop(0, k, body, 0)
    plsc.subcore_barrier()
    for t in range(stripe // CHUNK):
        base = s * stripe + t * CHUNK
        pltpu.sync_copy(acc_sp.at[pl.ds(base, CHUNK)], buf_a)
        pltpu.sync_copy(buf_a, out_hbm.at[c, pl.ds(base, CHUNK)])


def _mm_body(x_ref, w_ref, degp_ref, hs_ref):
    deg = degp_ref[0, :, 0:1] + degp_ref[1, :, 0:1] + 1.0
    dis = lax.rsqrt(deg)
    h = jnp.dot(x_ref[...], w_ref[...], preferred_element_type=jnp.float32)
    hs_ref[...] = h * dis


def _fin_body(accp_ref, hs_ref, degp_ref, b_ref, out_ref):
    deg = degp_ref[0, :, 0:1] + degp_ref[1, :, 0:1] + 1.0
    dis = lax.rsqrt(deg)
    out_ref[...] = dis * (accp_ref[0] + accp_ref[1] + hs_ref[...]) + b_ref[...]


def kernel(x, edge_index, W, b):
    n, d_in = x.shape
    d = W.shape[1]
    e = edge_index.shape[1]

    n_pad = ((n // (NS * CHUNK)) + 1) * NS * CHUNK
    stripe = n_pad // NS
    trash = n

    ep = ((e + NW * CHUNK - 1) // (NW * CHUNK)) * NW * CHUNK
    k = ep // (NW * CHUNK)

    e32 = edge_index.astype(jnp.int32)
    pad = jnp.full((ep - e,), trash, dtype=jnp.int32)
    src = jnp.concatenate([e32[0], pad]).reshape(NW, k, CHUNK)
    dst = jnp.concatenate([e32[1], pad]).reshape(NW, k, CHUNK)
    x_pad = jnp.zeros((n_pad, d_in), x.dtype).at[:n].set(x)

    ones_d = jnp.ones((CHUNK, d), jnp.float32)
    zeros_d = jnp.zeros((CHUNK, d), jnp.float32)

    mesh = _sc_mesh()
    deg_part = pl.kernel(
        functools.partial(_deg_body, k, stripe),
        out_type=jax.ShapeDtypeStruct((NC, n_pad, d), jnp.float32),
        mesh=mesh,
        scratch_types=[
            pltpu.VMEM((k, CHUNK), jnp.int32),
            pltpu.VMEM((CHUNK, d), jnp.float32),
            pltpu.VMEM((CHUNK, d), jnp.float32),
            pltpu.VMEM_SHARED((n_pad, d), jnp.float32),
        ],
    )(dst, ones_d, zeros_d)

    blk = 512
    grid = (n_pad // blk,)
    hs = pl.pallas_call(
        _mm_body,
        grid=grid,
        in_specs=[
            pl.BlockSpec((blk, d_in), lambda i: (i, 0)),
            pl.BlockSpec((d_in, d), lambda i: (0, 0)),
            pl.BlockSpec((NC, blk, d), lambda i: (0, i, 0)),
        ],
        out_specs=pl.BlockSpec((blk, d), lambda i: (i, 0)),
        out_shape=jax.ShapeDtypeStruct((n_pad, d), jnp.float32),
    )(x_pad, W, deg_part)

    acc_part = pl.kernel(
        functools.partial(_edge_body, k, stripe),
        out_type=jax.ShapeDtypeStruct((NC, n_pad, d), jnp.float32),
        mesh=mesh,
        scratch_types=[
            pltpu.VMEM((k, CHUNK), jnp.int32),
            pltpu.VMEM((k, CHUNK), jnp.int32),
            pltpu.VMEM((CHUNK, d), jnp.float32),
            pltpu.VMEM_SHARED((n_pad, d), jnp.float32),
            pltpu.SemaphoreType.DMA,
        ],
    )(hs, src, dst, zeros_d)

    out_pad = pl.pallas_call(
        _fin_body,
        grid=grid,
        in_specs=[
            pl.BlockSpec((NC, blk, d), lambda i: (0, i, 0)),
            pl.BlockSpec((blk, d), lambda i: (i, 0)),
            pl.BlockSpec((NC, blk, d), lambda i: (0, i, 0)),
            pl.BlockSpec((1, d), lambda i: (0, 0)),
        ],
        out_specs=pl.BlockSpec((blk, d), lambda i: (i, 0)),
        out_shape=jax.ShapeDtypeStruct((n_pad, d), jnp.float32),
    )(acc_part, hs, deg_part, b.reshape(1, d))

    return out_pad[:n]

# --- scband reference (transcript-rebuilt; emitter-appended) ---
"""Pipeline reference for scband-gcnconv-27187142983849 (READ-ONLY COPY).

The authoritative reference and input builder live on the scoring server;
editing this copy changes nothing except your own understanding.
"""

import jax, jax.numpy as jnp
import numpy as np

N_NODES = 10000
N_EDGES = 320000
D_IN = 128
D_OUT = 128


def setup_inputs(seed: int = 0) -> dict:
    key = jax.random.key(seed)
    k1, k2, k3, k4 = jax.random.split(key, 4)
    x = jax.random.normal(k1, (N_NODES, D_IN), dtype=jnp.float32)
    edge_index = jax.random.randint(k2, (2, N_EDGES), 0, N_NODES, dtype=jnp.int64)
    # GCNConv learned params: weight [in, out] and bias [out]
    W = jax.random.normal(k3, (D_IN, D_OUT), dtype=jnp.float32) / np.sqrt(D_IN)
    b = jax.random.normal(k4, (D_OUT,), dtype=jnp.float32) * 0.01
    return {"x": x, "edge_index": edge_index, "W": W, "b": b}


def reference(x, edge_index, W, b):
    # Faithful GCNConv (pyg defaults: normalize=True, add_self_loops=True, bias=True)
    # applied to the single TensorBlock's values.
    N = x.shape[0]
    src = edge_index[0]
    dst = edge_index[1]
    # add self loops with fill value 1
    loop = jnp.arange(N, dtype=edge_index.dtype)
    src = jnp.concatenate([src, loop])
    dst = jnp.concatenate([dst, loop])
    edge_weight = jnp.ones(src.shape[0], dtype=x.dtype)
    # symmetric normalization: D^-1/2 A D^-1/2
    deg = jnp.zeros((N,), dtype=x.dtype).at[dst].add(edge_weight)
    deg_inv_sqrt = jnp.where(deg > 0, deg ** -0.5, 0.0)
    norm = deg_inv_sqrt[src] * edge_weight * deg_inv_sqrt[dst]
    # linear transform then propagate (source_to_target flow)
    h = x @ W
    msg = h[src] * norm[:, None]
    out = jnp.zeros((N, W.shape[1]), dtype=x.dtype).at[dst].add(msg)
    return out + b

if __name__ == "__main__":
    import jax
    _d = setup_inputs()
    print(jax.jit(kernel)(*tuple(_d.values())))

</pallas_src>

<mosaic_0001>
#map = affine_map<(d0, d1) -> (0, 0, 0)>
#map1 = affine_map<(d0, d1) -> (0, 0)>
module attributes {stable_mosaic.version = 14 : i64} {
  func.func @_deg_body(%arg0: i32, %arg1: i32, %arg2: memref<32x79x128xi32, #tpu.memory_space<hbm>>, %arg3: memref<128x128xf32, #tpu.memory_space<hbm>>, %arg4: memref<128x128xf32, #tpu.memory_space<hbm>>, %arg5: memref<2x10240x128xf32, #tpu.memory_space<hbm>>, %arg6: memref<79x128xi32, #tpu.memory_space<vmem>>, %arg7: memref<128x128xf32, #tpu.memory_space<vmem>>, %arg8: memref<128x128xf32, #tpu.memory_space<vmem>>, %arg9: memref<10240x128xf32, #tpu.memory_space<vmem_shared>>) attributes {dimension_semantics = [#tpu.dimension_semantics<core_parallel>, #tpu.dimension_semantics<subcore_parallel>], iteration_bounds = array<i64: 2, 16>, scalar_prefetch = 0 : i64, scratch_operands = 4 : i64, tpu.core_type = #tpu.core_type<sc_vector_subcore>, window_params = [{transform_indices = #map}, {transform_indices = #map1}, {transform_indices = #map1}, {transform_indices = #map}]} {
    %mul3A = arith.constant 2 : i32
    %mul3A_0 = arith.muli %arg1, %mul3A : i32
    %add3A = arith.addi %mul3A_0, %arg0 : i32
    "tpu.region"() ({
      %run_scoped3A = tpu.sem_alloc : memref<!tpu.dma_semaphore, #tpu.memory_space<semaphore_mem>>
      %dma_start3A = arith.constant 0 : i32
      %dma_start3A_47 = arith.constant 0 : i32
      %dma_start3A_48 = tpu.memref_slice %arg2[%add3A, %dma_start3A, %dma_start3A_47] : memref<32x79x128xi32, #tpu.memory_space<hbm>> -> memref<1x79x128xi32, #tpu.memory_space<hbm>>
      %dma_start3A_49 = tpu.memref_squeeze %dma_start3A_48 : memref<1x79x128xi32, #tpu.memory_space<hbm>> -> memref<79x128xi32, #tpu.memory_space<hbm>>
      %dma_start3A_50 = arith.constant 0 : i32
      %dma_start3A_51 = arith.constant 0 : i32
      %dma_start3A_52 = tpu.memref_slice %arg2[%add3A, %dma_start3A_50, %dma_start3A_51] : memref<32x79x128xi32, #tpu.memory_space<hbm>> -> memref<1x79x128xi32, #tpu.memory_space<hbm>>
      %dma_start3A_53 = tpu.memref_squeeze %dma_start3A_52 : memref<1x79x128xi32, #tpu.memory_space<hbm>> -> memref<79x128xi32, #tpu.memory_space<hbm>>
      tpu.enqueue_dma source(%dma_start3A_53 : memref<79x128xi32, #tpu.memory_space<hbm>>) target(%arg6 : memref<79x128xi32, #tpu.memory_space<vmem>>) target_semaphore(%run_scoped3A : memref<!tpu.dma_semaphore, #tpu.memory_space<semaphore_mem>>)
      %dma_wait3A = arith.constant 0 : i32
      %dma_wait3A_54 = arith.constant 0 : i32
      %dma_wait3A_55 = tpu.memref_slice %arg2[%add3A, %dma_wait3A, %dma_wait3A_54] : memref<32x79x128xi32, #tpu.memory_space<hbm>> -> memref<1x79x128xi32, #tpu.memory_space<hbm>>
      %dma_wait3A_56 = tpu.memref_squeeze %dma_wait3A_55 : memref<1x79x128xi32, #tpu.memory_space<hbm>> -> memref<79x128xi32, #tpu.memory_space<hbm>>
      %dma_wait3A_57 = arith.constant 0 : i32
      %dma_wait3A_58 = arith.constant 0 : i32
      %dma_wait3A_59 = tpu.memref_slice %arg2[%add3A, %dma_wait3A_57, %dma_wait3A_58] : memref<32x79x128xi32, #tpu.memory_space<hbm>> -> memref<1x79x128xi32, #tpu.memory_space<hbm>>
      %dma_wait3A_60 = tpu.memref_squeeze %dma_wait3A_59 : memref<1x79x128xi32, #tpu.memory_space<hbm>> -> memref<79x128xi32, #tpu.memory_space<hbm>>
      tpu.wait_dma2 semaphore(%run_scoped3A : memref<!tpu.dma_semaphore, #tpu.memory_space<semaphore_mem>>) src(%dma_wait3A_60 : memref<79x128xi32, #tpu.memory_space<hbm>>) dst(%arg6 : memref<79x128xi32, #tpu.memory_space<vmem>>)
      tpu.yield
    }) : () -> ()
    "tpu.region"() ({
      %run_scoped3A = tpu.sem_alloc : memref<!tpu.dma_semaphore, #tpu.memory_space<semaphore_mem>>
      tpu.enqueue_dma source(%arg3 : memref<128x128xf32, #tpu.memory_space<hbm>>) target(%arg7 : memref<128x128xf32, #tpu.memory_space<vmem>>) target_semaphore(%run_scoped3A : memref<!tpu.dma_semaphore, #tpu.memory_space<semaphore_mem>>)
      tpu.wait_dma2 semaphore(%run_scoped3A : memref<!tpu.dma_semaphore, #tpu.memory_space<semaphore_mem>>) src(%arg3 : memref<128x128xf32, #tpu.memory_space<hbm>>) dst(%arg7 : memref<128x128xf32, #tpu.memory_space<vmem>>)
      tpu.yield
    }) : () -> ()
    "tpu.region"() ({
      %run_scoped3A = tpu.sem_alloc : memref<!tpu.dma_semaphore, #tpu.memory_space<semaphore_mem>>
      tpu.enqueue_dma source(%arg4 : memref<128x128xf32, #tpu.memory_space<hbm>>) target(%arg8 : memref<128x128xf32, #tpu.memory_space<vmem>>) target_semaphore(%run_scoped3A : memref<!tpu.dma_semaphore, #tpu.memory_space<semaphore_mem>>)
      tpu.wait_dma2 semaphore(%run_scoped3A : memref<!tpu.dma_semaphore, #tpu.memory_space<semaphore_mem>>) src(%arg4 : memref<128x128xf32, #tpu.memory_space<hbm>>) dst(%arg8 : memref<128x128xf32, #tpu.memory_space<vmem>>)
      tpu.yield
    }) : () -> ()
    %mul3A_1 = arith.constant 640 : i32
    %mul3A_2 = arith.muli %arg1, %mul3A_1 : i32
    %add3A_3 = arith.constant 0 : i32
    %add3A_4 = arith.addi %mul3A_2, %add3A_3 : i32
    "tpu.region"() ({
      %run_scoped3A = tpu.sem_alloc : memref<!tpu.dma_semaphore, #tpu.memory_space<semaphore_mem>>
      %dma_start3A = arith.constant 0 : i32
      %dma_start3A_47 = tpu.memref_slice %arg9[%add3A_4, %dma_start3A] : memref<10240x128xf32, #tpu.memory_space<vmem_shared>> -> memref<128x128xf32, #tpu.memory_space<vmem_shared>>
      %dma_start3A_48 = arith.constant 0 : i32
      %dma_start3A_49 = tpu.memref_slice %arg9[%add3A_4, %dma_start3A_48] : memref<10240x128xf32, #tpu.memory_space<vmem_shared>> -> memref<128x128xf32, #tpu.memory_space<vmem_shared>>
      tpu.enqueue_dma source(%arg8 : memref<128x128xf32, #tpu.memory_space<vmem>>) target(%dma_start3A_49 : memref<128x128xf32, #tpu.memory_space<vmem_shared>>) target_semaphore(%run_scoped3A : memref<!tpu.dma_semaphore, #tpu.memory_space<semaphore_mem>>)
      %dma_wait3A = arith.constant 0 : i32
      %dma_wait3A_50 = tpu.memref_slice %arg9[%add3A_4, %dma_wait3A] : memref<10240x128xf32, #tpu.memory_space<vmem_shared>> -> memref<128x128xf32, #tpu.memory_space<vmem_shared>>
      %dma_wait3A_51 = arith.constant 0 : i32
      %dma_wait3A_52 = tpu.memref_slice %arg9[%add3A_4, %dma_wait3A_51] : memref<10240x128xf32, #tpu.memory_space<vmem_shared>> -> memref<128x128xf32, #tpu.memory_space<vmem_shared>>
      tpu.wait_dma2 semaphore(%run_scoped3A : memref<!tpu.dma_semaphore, #tpu.memory_space<semaphore_mem>>) src(%arg8 : memref<128x128xf32, #tpu.memory_space<vmem>>) dst(%dma_wait3A_52 : memref<128x128xf32, #tpu.memory_space<vmem_shared>>)
      tpu.yield
    }) : () -> ()
    %mul3A_5 = arith.constant 640 : i32
    %mul3A_6 = arith.muli %arg1, %mul3A_5 : i32
    %add3A_7 = arith.constant 128 : i32
    %add3A_8 = arith.addi %mul3A_6, %add3A_7 : i32
    "tpu.region"() ({
      %run_scoped3A = tpu.sem_alloc : memref<!tpu.dma_semaphore, #tpu.memory_space<semaphore_mem>>
      %dma_start3A = arith.constant 0 : i32
      %dma_start3A_47 = tpu.memref_slice %arg9[%add3A_8, %dma_start3A] : memref<10240x128xf32, #tpu.memory_space<vmem_shared>> -> memref<128x128xf32, #tpu.memory_space<vmem_shared>>
      %dma_start3A_48 = arith.constant 0 : i32
      %dma_start3A_49 = tpu.memref_slice %arg9[%add3A_8, %dma_start3A_48] : memref<10240x128xf32, #tpu.memory_space<vmem_shared>> -> memref<128x128xf32, #tpu.memory_space<vmem_shared>>
      tpu.enqueue_dma source(%arg8 : memref<128x128xf32, #tpu.memory_space<vmem>>) target(%dma_start3A_49 : memref<128x128xf32, #tpu.memory_space<vmem_shared>>) target_semaphore(%run_scoped3A : memref<!tpu.dma_semaphore, #tpu.memory_space<semaphore_mem>>)
      %dma_wait3A = arith.constant 0 : i32
      %dma_wait3A_50 = tpu.memref_slice %arg9[%add3A_8, %dma_wait3A] : memref<10240x128xf32, #tpu.memory_space<vmem_shared>> -> memref<128x128xf32, #tpu.memory_space<vmem_shared>>
      %dma_wait3A_51 = arith.constant 0 : i32
      %dma_wait3A_52 = tpu.memref_slice %arg9[%add3A_8, %dma_wait3A_51] : memref<10240x128xf32, #tpu.memory_space<vmem_shared>> -> memref<128x128xf32, #tpu.memory_space<vmem_shared>>
      tpu.wait_dma2 semaphore(%run_scoped3A : memref<!tpu.dma_semaphore, #tpu.memory_space<semaphore_mem>>) src(%arg8 : memref<128x128xf32, #tpu.memory_space<vmem>>) dst(%dma_wait3A_52 : memref<128x128xf32, #tpu.memory_space<vmem_shared>>)
      tpu.yield
    }) : () -> ()
    %mul3A_9 = arith.constant 640 : i32
    %mul3A_10 = arith.muli %arg1, %mul3A_9 : i32
    %add3A_11 = arith.constant 256 : i32
    %add3A_12 = arith.addi %mul3A_10, %add3A_11 : i32
    "tpu.region"() ({
      %run_scoped3A = tpu.sem_alloc : memref<!tpu.dma_semaphore, #tpu.memory_space<semaphore_mem>>
      %dma_start3A = arith.constant 0 : i32
      %dma_start3A_47 = tpu.memref_slice %arg9[%add3A_12, %dma_start3A] : memref<10240x128xf32, #tpu.memory_space<vmem_shared>> -> memref<128x128xf32, #tpu.memory_space<vmem_shared>>
      %dma_start3A_48 = arith.constant 0 : i32
      %dma_start3A_49 = tpu.memref_slice %arg9[%add3A_12, %dma_start3A_48] : memref<10240x128xf32, #tpu.memory_space<vmem_shared>> -> memref<128x128xf32, #tpu.memory_space<vmem_shared>>
      tpu.enqueue_dma source(%arg8 : memref<128x128xf32, #tpu.memory_space<vmem>>) target(%dma_start3A_49 : memref<128x128xf32, #tpu.memory_space<vmem_shared>>) target_semaphore(%run_scoped3A : memref<!tpu.dma_semaphore, #tpu.memory_space<semaphore_mem>>)
      %dma_wait3A = arith.constant 0 : i32
      %dma_wait3A_50 = tpu.memref_slice %arg9[%add3A_12, %dma_wait3A] : memref<10240x128xf32, #tpu.memory_space<vmem_shared>> -> memref<128x128xf32, #tpu.memory_space<vmem_shared>>
      %dma_wait3A_51 = arith.constant 0 : i32
      %dma_wait3A_52 = tpu.memref_slice %arg9[%add3A_12, %dma_wait3A_51] : memref<10240x128xf32, #tpu.memory_space<vmem_shared>> -> memref<128x128xf32, #tpu.memory_space<vmem_shared>>
      tpu.wait_dma2 semaphore(%run_scoped3A : memref<!tpu.dma_semaphore, #tpu.memory_space<semaphore_mem>>) src(%arg8 : memref<128x128xf32, #tpu.memory_space<vmem>>) dst(%dma_wait3A_52 : memref<128x128xf32, #tpu.memory_space<vmem_shared>>)
      tpu.yield
    }) : () -> ()
    %mul3A_13 = arith.constant 640 : i32
    %mul3A_14 = arith.muli %arg1, %mul3A_13 : i32
    %add3A_15 = arith.constant 384 : i32
    %add3A_16 = arith.addi %mul3A_14, %add3A_15 : i32
    "tpu.region"() ({
      %run_scoped3A = tpu.sem_alloc : memref<!tpu.dma_semaphore, #tpu.memory_space<semaphore_mem>>
      %dma_start3A = arith.constant 0 : i32
      %dma_start3A_47 = tpu.memref_slice %arg9[%add3A_16, %dma_start3A] : memref<10240x128xf32, #tpu.memory_space<vmem_shared>> -> memref<128x128xf32, #tpu.memory_space<vmem_shared>>
      %dma_start3A_48 = arith.constant 0 : i32
      %dma_start3A_49 = tpu.memref_slice %arg9[%add3A_16, %dma_start3A_48] : memref<10240x128xf32, #tpu.memory_space<vmem_shared>> -> memref<128x128xf32, #tpu.memory_space<vmem_shared>>
      tpu.enqueue_dma source(%arg8 : memref<128x128xf32, #tpu.memory_space<vmem>>) target(%dma_start3A_49 : memref<128x128xf32, #tpu.memory_space<vmem_shared>>) target_semaphore(%run_scoped3A : memref<!tpu.dma_semaphore, #tpu.memory_space<semaphore_mem>>)
      %dma_wait3A = arith.constant 0 : i32
      %dma_wait3A_50 = tpu.memref_slice %arg9[%add3A_16, %dma_wait3A] : memref<10240x128xf32, #tpu.memory_space<vmem_shared>> -> memref<128x128xf32, #tpu.memory_space<vmem_shared>>
      %dma_wait3A_51 = arith.constant 0 : i32
      %dma_wait3A_52 = tpu.memref_slice %arg9[%add3A_16, %dma_wait3A_51] : memref<10240x128xf32, #tpu.memory_space<vmem_shared>> -> memref<128x128xf32, #tpu.memory_space<vmem_shared>>
      tpu.wait_dma2 semaphore(%run_scoped3A : memref<!tpu.dma_semaphore, #tpu.memory_space<semaphore_mem>>) src(%arg8 : memref<128x128xf32, #tpu.memory_space<vmem>>) dst(%dma_wait3A_52 : memref<128x128xf32, #tpu.memory_space<vmem_shared>>)
      tpu.yield
    }) : () -> ()
    %mul3A_17 = arith.constant 640 : i32
    %mul3A_18 = arith.muli %arg1, %mul3A_17 : i32
    %add3A_19 = arith.constant 512 : i32
    %add3A_20 = arith.addi %mul3A_18, %add3A_19 : i32
    "tpu.region"() ({
      %run_scoped3A = tpu.sem_alloc : memref<!tpu.dma_semaphore, #tpu.memory_space<semaphore_mem>>
      %dma_start3A = arith.constant 0 : i32
      %dma_start3A_47 = tpu.memref_slice %arg9[%add3A_20, %dma_start3A] : memref<10240x128xf32, #tpu.memory_space<vmem_shared>> -> memref<128x128xf32, #tpu.memory_space<vmem_shared>>
      %dma_start3A_48 = arith.constant 0 : i32
      %dma_start3A_49 = tpu.memref_slice %arg9[%add3A_20, %dma_start3A_48] : memref<10240x128xf32, #tpu.memory_space<vmem_shared>> -> memref<128x128xf32, #tpu.memory_space<vmem_shared>>
      tpu.enqueue_dma source(%arg8 : memref<128x128xf32, #tpu.memory_space<vmem>>) target(%dma_start3A_49 : memref<128x128xf32, #tpu.memory_space<vmem_shared>>) target_semaphore(%run_scoped3A : memref<!tpu.dma_semaphore, #tpu.memory_space<semaphore_mem>>)
      %dma_wait3A = arith.constant 0 : i32
      %dma_wait3A_50 = tpu.memref_slice %arg9[%add3A_20, %dma_wait3A] : memref<10240x128xf32, #tpu.memory_space<vmem_shared>> -> memref<128x128xf32, #tpu.memory_space<vmem_shared>>
      %dma_wait3A_51 = arith.constant 0 : i32
      %dma_wait3A_52 = tpu.memref_slice %arg9[%add3A_20, %dma_wait3A_51] : memref<10240x128xf32, #tpu.memory_space<vmem_shared>> -> memref<128x128xf32, #tpu.memory_space<vmem_shared>>
      tpu.wait_dma2 semaphore(%run_scoped3A : memref<!tpu.dma_semaphore, #tpu.memory_space<semaphore_mem>>) src(%arg8 : memref<128x128xf32, #tpu.memory_space<vmem>>) dst(%dma_wait3A_52 : memref<128x128xf32, #tpu.memory_space<vmem_shared>>)
      tpu.yield
    }) : () -> ()
    %barrier3A = arith.constant 0 : index
    tpu.barrier barrier_id(%barrier3A)
    %scan3A = arith.constant 0 : i32
    %scan3A_21 = arith.constant 0 : i32
    %scan3A_22 = arith.constant 79 : i32
    %scan3A_23 = arith.addi %scan3A_21, %scan3A_22 : i32
    %scan3A_24 = arith.constant 1 : i32
    scf.for %scan3A_47 = %scan3A_21 to %scan3A_23 step %scan3A_24  : i32 {
      "tpu.region"() ({
        %run_scoped3A = tpu.sem_alloc : memref<!tpu.dma_semaphore, #tpu.memory_space<semaphore_mem>>
        %dma_start3A = arith.constant 0 : i32
        %dma_start3A_48 = tpu.memref_slice %arg6[%scan3A_47, %dma_start3A] : memref<79x128xi32, #tpu.memory_space<vmem>> -> memref<1x128xi32, #tpu.memory_space<vmem>>
        %dma_start3A_49 = tpu.memref_squeeze %dma_start3A_48 : memref<1x128xi32, #tpu.memory_space<vmem>> -> memref<128xi32, #tpu.memory_space<vmem>>
        %dma_start3A_50 = arith.constant 0 : i32
        %dma_start3A_51 = arith.constant 0 : i32
        %dma_start3A_52 = tpu.memref_slice %arg9[%dma_start3A_50, %dma_start3A_51] : memref<10240x128xf32, #tpu.memory_space<vmem_shared>> -> memref<10240x128xf32, #tpu.memory_space<vmem_shared>>
        tpu.enqueue_indirect_dma source(%arg7 : memref<128x128xf32, #tpu.memory_space<vmem>>) target(%dma_start3A_52 : memref<10240x128xf32, #tpu.memory_space<vmem_shared>>) offsets(%dma_start3A_49 : memref<128xi32, #tpu.memory_space<vmem>>) semaphore(%run_scoped3A : memref<!tpu.dma_semaphore, #tpu.memory_space<semaphore_mem>>) {add = true}
        %dma_wait3A = arith.constant 0 : i32
        %dma_wait3A_53 = tpu.memref_slice %arg6[%scan3A_47, %dma_wait3A] : memref<79x128xi32, #tpu.memory_space<vmem>> -> memref<1x128xi32, #tpu.memory_space<vmem>>
        %dma_wait3A_54 = tpu.memref_squeeze %dma_wait3A_53 : memref<1x128xi32, #tpu.memory_space<vmem>> -> memref<128xi32, #tpu.memory_space<vmem>>
        %dma_wait3A_55 = arith.constant 0 : i32
        %dma_wait3A_56 = arith.constant 0 : i32
        %dma_wait3A_57 = tpu.memref_slice %arg9[%dma_wait3A_55, %dma_wait3A_56] : memref<10240x128xf32, #tpu.memory_space<vmem_shared>> -> memref<10240x128xf32, #tpu.memory_space<vmem_shared>>
        tpu.wait_indirect_dma semaphore(%run_scoped3A : memref<!tpu.dma_semaphore, #tpu.memory_space<semaphore_mem>>) src(%arg7 : memref<128x128xf32, #tpu.memory_space<vmem>>) dst(%dma_wait3A_57 : memref<10240x128xf32, #tpu.memory_space<vmem_shared>>)
        tpu.yield
      }) : () -> ()
    }
    %scan3A_25 = arith.constant 79 : i32
    %barrier3A_26 = arith.constant 0 : index
    tpu.barrier barrier_id(%barrier3A_26)
    %mul3A_27 = arith.constant 640 : i32
    %mul3A_28 = arith.muli %arg1, %mul3A_27 : i32
    %add3A_29 = arith.constant 0 : i32
    %add3A_30 = arith.addi %mul3A_28, %add3A_29 : i32
    "tpu.region"() ({
      %run_scoped3A = tpu.sem_alloc : memref<!tpu.dma_semaphore, #tpu.memory_space<semaphore_mem>>
      %dma_start3A = arith.constant 0 : i32
      %dma_start3A_47 = tpu.memref_slice %arg9[%add3A_30, %dma_start3A] : memref<10240x128xf32, #tpu.memory_space<vmem_shared>> -> memref<128x128xf32, #tpu.memory_space<vmem_shared>>
      %dma_start3A_48 = arith.constant 0 : i32
      %dma_start3A_49 = tpu.memref_slice %arg9[%add3A_30, %dma_start3A_48] : memref<10240x128xf32, #tpu.memory_space<vmem_shared>> -> memref<128x128xf32, #tpu.memory_space<vmem_shared>>
      tpu.enqueue_dma source(%dma_start3A_49 : memref<128x128xf32, #tpu.memory_space<vmem_shared>>) target(%arg8 : memref<128x128xf32, #tpu.memory_space<vmem>>) target_semaphore(%run_scoped3A : memref<!tpu.dma_semaphore, #tpu.memory_space<semaphore_mem>>)
      %dma_wait3A = arith.constant 0 : i32
      %dma_wait3A_50 = tpu.memref_slice %arg9[%add3A_30, %dma_wait3A] : memref<10240x128xf32, #tpu.memory_space<vmem_shared>> -> memref<128x128xf32, #tpu.memory_space<vmem_shared>>
      %dma_wait3A_51 = arith.constant 0 : i32
      %dma_wait3A_52 = tpu.memref_slice %arg9[%add3A_30, %dma_wait3A_51] : memref<10240x128xf32, #tpu.memory_space<vmem_shared>> -> memref<128x128xf32, #tpu.memory_space<vmem_shared>>
      tpu.wait_dma2 semaphore(%run_scoped3A : memref<!tpu.dma_semaphore, #tpu.memory_space<semaphore_mem>>) src(%dma_wait3A_52 : memref<128x128xf32, #tpu.memory_space<vmem_shared>>) dst(%arg8 : memref<128x128xf32, #tpu.memory_space<vmem>>)
      tpu.yield
    }) : () -> ()
    "tpu.region"() ({
      %run_scoped3A = tpu.sem_alloc : memref<!tpu.dma_semaphore, #tpu.memory_space<semaphore_mem>>
      %dma_start3A = arith.constant 0 : i32
      %dma_start3A_47 = tpu.memref_slice %arg5[%arg0, %add3A_30, %dma_start3A] : memref<2x10240x128xf32, #tpu.memory_space<hbm>> -> memref<1x128x128xf32, #tpu.memory_space<hbm>>
      %dma_start3A_48 = tpu.memref_squeeze %dma_start3A_47 : memref<1x128x128xf32, #tpu.memory_space<hbm>> -> memref<128x128xf32, #tpu.memory_space<hbm>>
      %dma_start3A_49 = arith.constant 0 : i32
      %dma_start3A_50 = tpu.memref_slice %arg5[%arg0, %add3A_30, %dma_start3A_49] : memref<2x10240x128xf32, #tpu.memory_space<hbm>> -> memref<1x128x128xf32, #tpu.memory_space<hbm>>
      %dma_start3A_51 = tpu.memref_squeeze %dma_start3A_50 : memref<1x128x128xf32, #tpu.memory_space<hbm>> -> memref<128x128xf32, #tpu.memory_space<hbm>>
      tpu.enqueue_dma source(%arg8 : memref<128x128xf32, #tpu.memory_space<vmem>>) target(%dma_start3A_51 : memref<128x128xf32, #tpu.memory_space<hbm>>) target_semaphore(%run_scoped3A : memref<!tpu.dma_semaphore, #tpu.memory_space<semaphore_mem>>)
      %dma_wait3A = arith.constant 0 : i32
      %dma_wait3A_52 = tpu.memref_slice %arg5[%arg0, %add3A_30, %dma_wait3A] : memref<2x10240x128xf32, #tpu.memory_space<hbm>> -> memref<1x128x128xf32, #tpu.memory_space<hbm>>
      %dma_wait3A_53 = tpu.memref_squeeze %dma_wait3A_52 : memref<1x128x128xf32, #tpu.memory_space<hbm>> -> memref<128x128xf32, #tpu.memory_space<hbm>>
      %dma_wait3A_54 = arith.constant 0 : i32
      %dma_wait3A_55 = tpu.memref_slice %arg5[%arg0, %add3A_30, %dma_wait3A_54] : memref<2x10240x128xf32, #tpu.memory_space<hbm>> -> memref<1x128x128xf32, #tpu.memory_space<hbm>>
      %dma_wait3A_56 = tpu.memref_squeeze %dma_wait3A_55 : memref<1x128x128xf32, #tpu.memory_space<hbm>> -> memref<128x128xf32, #tpu.memory_space<hbm>>
      tpu.wait_dma2 semaphore(%run_scoped3A : memref<!tpu.dma_semaphore, #tpu.memory_space<semaphore_mem>>) src(%arg8 : memref<128x128xf32, #tpu.memory_space<vmem>>) dst(%dma_wait3A_56 : memref<128x128xf32, #tpu.memory_space<hbm>>)
      tpu.yield
    }) : () -> ()
    %mul3A_31 = arith.constant 640 : i32
    %mul3A_32 = arith.muli %arg1, %mul3A_31 : i32
    %add3A_33 = arith.constant 128 : i32
    %add3A_34 = arith.addi %mul3A_32, %add3A_33 : i32
    "tpu.region"() ({
      %run_scoped3A = tpu.sem_alloc : memref<!tpu.dma_semaphore, #tpu.memory_space<semaphore_mem>>
      %dma_start3A = arith.constant 0 : i32
      %dma_start3A_47 = tpu.memref_slice %arg9[%add3A_34, %dma_start3A] : memref<10240x128xf32, #tpu.memory_space<vmem_shared>> -> memref<128x128xf32, #tpu.memory_space<vmem_shared>>
      %dma_start3A_48 = arith.constant 0 : i32
      %dma_start3A_49 = tpu.memref_slice %arg9[%add3A_34, %dma_start3A_48] : memref<10240x128xf32, #tpu.memory_space<vmem_shared>> -> memref<128x128xf32, #tpu.memory_space<vmem_shared>>
      tpu.enqueue_dma source(%dma_start3A_49 : memref<128x128xf32, #tpu.memory_space<vmem_shared>>) target(%arg8 : memref<128x128xf32, #tpu.memory_space<vmem>>) target_semaphore(%run_scoped3A : memref<!tpu.dma_semaphore, #tpu.memory_space<semaphore_mem>>)
      %dma_wait3A = arith.constant 0 : i32
      %dma_wait3A_50 = tpu.memref_slice %arg9[%add3A_34, %dma_wait3A] : memref<10240x128xf32, #tpu.memory_space<vmem_shared>> -> memref<128x128xf32, #tpu.memory_space<vmem_shared>>
      %dma_wait3A_51 = arith.constant 0 : i32
      %dma_wait3A_52 = tpu.memref_slice %arg9[%add3A_34, %dma_wait3A_51] : memref<10240x128xf32, #tpu.memory_space<vmem_shared>> -> memref<128x128xf32, #tpu.memory_space<vmem_shared>>
      tpu.wait_dma2 semaphore(%run_scoped3A : memref<!tpu.dma_semaphore, #tpu.memory_space<semaphore_mem>>) src(%dma_wait3A_52 : memref<128x128xf32, #tpu.memory_space<vmem_shared>>) dst(%arg8 : memref<128x128xf32, #tpu.memory_space<vmem>>)
      tpu.yield
    }) : () -> ()
    "tpu.region"() ({
      %run_scoped3A = tpu.sem_alloc : memref<!tpu.dma_semaphore, #tpu.memory_space<semaphore_mem>>
      %dma_start3A = arith.constant 0 : i32
      %dma_start3A_47 = tpu.memref_slice %arg5[%arg0, %add3A_34, %dma_start3A] : memref<2x10240x128xf32, #tpu.memory_space<hbm>> -> memref<1x128x128xf32, #tpu.memory_space<hbm>>
      %dma_start3A_48 = tpu.memref_squeeze %dma_start3A_47 : memref<1x128x128xf32, #tpu.memory_space<hbm>> -> memref<128x128xf32, #tpu.memory_space<hbm>>
      %dma_start3A_49 = arith.constant 0 : i32
      %dma_start3A_50 = tpu.memref_slice %arg5[%arg0, %add3A_34, %dma_start3A_49] : memref<2x10240x128xf32, #tpu.memory_space<hbm>> -> memref<1x128x128xf32, #tpu.memory_space<hbm>>
      %dma_start3A_51 = tpu.memref_squeeze %dma_start3A_50 : memref<1x128x128xf32, #tpu.memory_space<hbm>> -> memref<128x128xf32, #tpu.memory_space<hbm>>
      tpu.enqueue_dma source(%arg8 : memref<128x128xf32, #tpu.memory_space<vmem>>) target(%dma_start3A_51 : memref<128x128xf32, #tpu.memory_space<hbm>>) target_semaphore(%run_scoped3A : memref<!tpu.dma_semaphore, #tpu.memory_space<semaphore_mem>>)
      %dma_wait3A = arith.constant 0 : i32
      %dma_wait3A_52 = tpu.memref_slice %arg5[%arg0, %add3A_34, %dma_wait3A] : memref<2x10240x128xf32, #tpu.memory_space<hbm>> -> memref<1x128x128xf32, #tpu.memory_space<hbm>>
      %dma_wait3A_53 = tpu.memref_squeeze %dma_wait3A_52 : memref<1x128x128xf32, #tpu.memory_space<hbm>> -> memref<128x128xf32, #tpu.memory_space<hbm>>
      %dma_wait3A_54 = arith.constant 0 : i32
      %dma_wait3A_55 = tpu.memref_slice %arg5[%arg0, %add3A_34, %dma_wait3A_54] : memref<2x10240x128xf32, #tpu.memory_space<hbm>> -> memref<1x128x128xf32, #tpu.memory_space<hbm>>
      %dma_wait3A_56 = tpu.memref_squeeze %dma_wait3A_55 : memref<1x128x128xf32, #tpu.memory_space<hbm>> -> memref<128x128xf32, #tpu.memory_space<hbm>>
      tpu.wait_dma2 semaphore(%run_scoped3A : memref<!tpu.dma_semaphore, #tpu.memory_space<semaphore_mem>>) src(%arg8 : memref<128x128xf32, #tpu.memory_space<vmem>>) dst(%dma_wait3A_56 : memref<128x128xf32, #tpu.memory_space<hbm>>)
      tpu.yield
    }) : () -> ()
    %mul3A_35 = arith.constant 640 : i32
    %mul3A_36 = arith.muli %arg1, %mul3A_35 : i32
    %add3A_37 = arith.constant 256 : i32
    %add3A_38 = arith.addi %mul3A_36, %add3A_37 : i32
    "tpu.region"() ({
      %run_scoped3A = tpu.sem_alloc : memref<!tpu.dma_semaphore, #tpu.memory_space<semaphore_mem>>
      %dma_start3A = arith.constant 0 : i32
      %dma_start3A_47 = tpu.memref_slice %arg9[%add3A_38, %dma_start3A] : memref<10240x128xf32, #tpu.memory_space<vmem_shared>> -> memref<128x128xf32, #tpu.memory_space<vmem_shared>>
      %dma_start3A_48 = arith.constant 0 : i32
      %dma_start3A_49 = tpu.memref_slice %arg9[%add3A_38, %dma_start3A_48] : memref<10240x128xf32, #tpu.memory_space<vmem_shared>> -> memref<128x128xf32, #tpu.memory_space<vmem_shared>>
      tpu.enqueue_dma source(%dma_start3A_49 : memref<128x128xf32, #tpu.memory_space<vmem_shared>>) target(%arg8 : memref<128x128xf32, #tpu.memory_space<vmem>>) target_semaphore(%run_scoped3A : memref<!tpu.dma_semaphore, #tpu.memory_space<semaphore_mem>>)
      %dma_wait3A = arith.constant 0 : i32
      %dma_wait3A_50 = tpu.memref_slice %arg9[%add3A_38, %dma_wait3A] : memref<10240x128xf32, #tpu.memory_space<vmem_shared>> -> memref<128x128xf32, #tpu.memory_space<vmem_shared>>
      %dma_wait3A_51 = arith.constant 0 : i32
      %dma_wait3A_52 = tpu.memref_slice %arg9[%add3A_38, %dma_wait3A_51] : memref<10240x128xf32, #tpu.memory_space<vmem_shared>> -> memref<128x128xf32, #tpu.memory_space<vmem_shared>>
      tpu.wait_dma2 semaphore(%run_scoped3A : memref<!tpu.dma_semaphore, #tpu.memory_space<semaphore_mem>>) src(%dma_wait3A_52 : memref<128x128xf32, #tpu.memory_space<vmem_shared>>) dst(%arg8 : memref<128x128xf32, #tpu.memory_space<vmem>>)
      tpu.yield
    }) : () -> ()
    "tpu.region"() ({
      %run_scoped3A = tpu.sem_alloc : memref<!tpu.dma_semaphore, #tpu.memory_space<semaphore_mem>>
      %dma_start3A = arith.constant 0 : i32
      %dma_start3A_47 = tpu.memref_slice %arg5[%arg0, %add3A_38, %dma_start3A] : memref<2x10240x128xf32, #tpu.memory_space<hbm>> -> memref<1x128x128xf32, #tpu.memory_space<hbm>>
      %dma_start3A_48 = tpu.memref_squeeze %dma_start3A_47 : memref<1x128x128xf32, #tpu.memory_space<hbm>> -> memref<128x128xf32, #tpu.memory_space<hbm>>
      %dma_start3A_49 = arith.constant 0 : i32
      %dma_start3A_50 = tpu.memref_slice %arg5[%arg0, %add3A_38, %dma_start3A_49] : memref<2x10240x128xf32, #tpu.memory_space<hbm>> -> memref<1x128x128xf32, #tpu.memory_space<hbm>>
      %dma_start3A_51 = tpu.memref_squeeze %dma_start3A_50 : memref<1x128x128xf32, #tpu.memory_space<hbm>> -> memref<128x128xf32, #tpu.memory_space<hbm>>
      tpu.enqueue_dma source(%arg8 : memref<128x128xf32, #tpu.memory_space<vmem>>) target(%dma_start3A_51 : memref<128x128xf32, #tpu.memory_space<hbm>>) target_semaphore(%run_scoped3A : memref<!tpu.dma_semaphore, #tpu.memory_space<semaphore_mem>>)
      %dma_wait3A = arith.constant 0 : i32
      %dma_wait3A_52 = tpu.memref_slice %arg5[%arg0, %add3A_38, %dma_wait3A] : memref<2x10240x128xf32, #tpu.memory_space<hbm>> -> memref<1x128x128xf32, #tpu.memory_space<hbm>>
      %dma_wait3A_53 = tpu.memref_squeeze %dma_wait3A_52 : memref<1x128x128xf32, #tpu.memory_space<hbm>> -> memref<128x128xf32, #tpu.memory_space<hbm>>
      %dma_wait3A_54 = arith.constant 0 : i32
      %dma_wait3A_55 = tpu.memref_slice %arg5[%arg0, %add3A_38, %dma_wait3A_54] : memref<2x10240x128xf32, #tpu.memory_space<hbm>> -> memref<1x128x128xf32, #tpu.memory_space<hbm>>
      %dma_wait3A_56 = tpu.memref_squeeze %dma_wait3A_55 : memref<1x128x128xf32, #tpu.memory_space<hbm>> -> memref<128x128xf32, #tpu.memory_space<hbm>>
      tpu.wait_dma2 semaphore(%run_scoped3A : memref<!tpu.dma_semaphore, #tpu.memory_space<semaphore_mem>>) src(%arg8 : memref<128x128xf32, #tpu.memory_space<vmem>>) dst(%dma_wait3A_56 : memref<128x128xf32, #tpu.memory_space<hbm>>)
      tpu.yield
    }) : () -> ()
    %mul3A_39 = arith.constant 640 : i32
    %mul3A_40 = arith.muli %arg1, %mul3A_39 : i32
    %add3A_41 = arith.constant 384 : i32
    %add3A_42 = arith.addi %mul3A_40, %add3A_41 : i32
    "tpu.region"() ({
      %run_scoped3A = tpu.sem_alloc : memref<!tpu.dma_semaphore, #tpu.memory_space<semaphore_mem>>
      %dma_start3A = arith.constant 0 : i32
      %dma_start3A_47 = tpu.memref_slice %arg9[%add3A_42, %dma_start3A] : memref<10240x128xf32, #tpu.memory_space<vmem_shared>> -> memref<128x128xf32, #tpu.memory_space<vmem_shared>>
      %dma_start3A_48 = arith.constant 0 : i32
      %dma_start3A_49 = tpu.memref_slice %arg9[%add3A_42, %dma_start3A_48] : memref<10240x128xf32, #tpu.memory_space<vmem_shared>> -> memref<128x128xf32, #tpu.memory_space<vmem_shared>>
      tpu.enqueue_dma source(%dma_start3A_49 : memref<128x128xf32, #tpu.memory_space<vmem_shared>>) target(%arg8 : memref<128x128xf32, #tpu.memory_space<vmem>>) target_semaphore(%run_scoped3A : memref<!tpu.dma_semaphore, #tpu.memory_space<semaphore_mem>>)
      %dma_wait3A = arith.constant 0 : i32
      %dma_wait3A_50 = tpu.memref_slice %arg9[%add3A_42, %dma_wait3A] : memref<10240x128xf32, #tpu.memory_space<vmem_shared>> -> memref<128x128xf32, #tpu.memory_space<vmem_shared>>
      %dma_wait3A_51 = arith.constant 0 : i32
      %dma_wait3A_52 = tpu.memref_slice %arg9[%add3A_42, %dma_wait3A_51] : memref<10240x128xf32, #tpu.memory_space<vmem_shared>> -> memref<128x128xf32, #tpu.memory_space<vmem_shared>>
      tpu.wait_dma2 semaphore(%run_scoped3A : memref<!tpu.dma_semaphore, #tpu.memory_space<semaphore_mem>>) src(%dma_wait3A_52 : memref<128x128xf32, #tpu.memory_space<vmem_shared>>) dst(%arg8 : memref<128x128xf32, #tpu.memory_space<vmem>>)
      tpu.yield
    }) : () -> ()
    "tpu.region"() ({
      %run_scoped3A = tpu.sem_alloc : memref<!tpu.dma_semaphore, #tpu.memory_space<semaphore_mem>>
      %dma_start3A = arith.constant 0 : i32
      %dma_start3A_47 = tpu.memref_slice %arg5[%arg0, %add3A_42, %dma_start3A] : memref<2x10240x128xf32, #tpu.memory_space<hbm>> -> memref<1x128x128xf32, #tpu.memory_space<hbm>>
      %dma_start3A_48 = tpu.memref_squeeze %dma_start3A_47 : memref<1x128x128xf32, #tpu.memory_space<hbm>> -> memref<128x128xf32, #tpu.memory_space<hbm>>
      %dma_start3A_49 = arith.constant 0 : i32
      %dma_start3A_50 = tpu.memref_slice %arg5[%arg0, %add3A_42, %dma_start3A_49] : memref<2x10240x128xf32, #tpu.memory_space<hbm>> -> memref<1x128x128xf32, #tpu.memory_space<hbm>>
      %dma_start3A_51 = tpu.memref_squeeze %dma_start3A_50 : memref<1x128x128xf32, #tpu.memory_space<hbm>> -> memref<128x128xf32, #tpu.memory_space<hbm>>
      tpu.enqueue_dma source(%arg8 : memref<128x128xf32, #tpu.memory_space<vmem>>) target(%dma_start3A_51 : memref<128x128xf32, #tpu.memory_space<hbm>>) target_semaphore(%run_scoped3A : memref<!tpu.dma_semaphore, #tpu.memory_space<semaphore_mem>>)
      %dma_wait3A = arith.constant 0 : i32
      %dma_wait3A_52 = tpu.memref_slice %arg5[%arg0, %add3A_42, %dma_wait3A] : memref<2x10240x128xf32, #tpu.memory_space<hbm>> -> memref<1x128x128xf32, #tpu.memory_space<hbm>>
      %dma_wait3A_53 = tpu.memref_squeeze %dma_wait3A_52 : memref<1x128x128xf32, #tpu.memory_space<hbm>> -> memref<128x128xf32, #tpu.memory_space<hbm>>
      %dma_wait3A_54 = arith.constant 0 : i32
      %dma_wait3A_55 = tpu.memref_slice %arg5[%arg0, %add3A_42, %dma_wait3A_54] : memref<2x10240x128xf32, #tpu.memory_space<hbm>> -> memref<1x128x128xf32, #tpu.memory_space<hbm>>
      %dma_wait3A_56 = tpu.memref_squeeze %dma_wait3A_55 : memref<1x128x128xf32, #tpu.memory_space<hbm>> -> memref<128x128xf32, #tpu.memory_space<hbm>>
      tpu.wait_dma2 semaphore(%run_scoped3A : memref<!tpu.dma_semaphore, #tpu.memory_space<semaphore_mem>>) src(%arg8 : memref<128x128xf32, #tpu.memory_space<vmem>>) dst(%dma_wait3A_56 : memref<128x128xf32, #tpu.memory_space<hbm>>)
      tpu.yield
    }) : () -> ()
    %mul3A_43 = arith.constant 640 : i32
    %mul3A_44 = arith.muli %arg1, %mul3A_43 : i32
    %add3A_45 = arith.constant 512 : i32
    %add3A_46 = arith.addi %mul3A_44, %add3A_45 : i32
    "tpu.region"() ({
      %run_scoped3A = tpu.sem_alloc : memref<!tpu.dma_semaphore, #tpu.memory_space<semaphore_mem>>
      %dma_start3A = arith.constant 0 : i32
      %dma_start3A_47 = tpu.memref_slice %arg9[%add3A_46, %dma_start3A] : memref<10240x128xf32, #tpu.memory_space<vmem_shared>> -> memref<128x128xf32, #tpu.memory_space<vmem_shared>>
      %dma_start3A_48 = arith.constant 0 : i32
      %dma_start3A_49 = tpu.memref_slice %arg9[%add3A_46, %dma_start3A_48] : memref<10240x128xf32, #tpu.memory_space<vmem_shared>> -> memref<128x128xf32, #tpu.memory_space<vmem_shared>>
      tpu.enqueue_dma source(%dma_start3A_49 : memref<128x128xf32, #tpu.memory_space<vmem_shared>>) target(%arg8 : memref<128x128xf32, #tpu.memory_space<vmem>>) target_semaphore(%run_scoped3A : memref<!tpu.dma_semaphore, #tpu.memory_space<semaphore_mem>>)
      %dma_wait3A = arith.constant 0 : i32
      %dma_wait3A_50 = tpu.memref_slice %arg9[%add3A_46, %dma_wait3A] : memref<10240x128xf32, #tpu.memory_space<vmem_shared>> -> memref<128x128xf32, #tpu.memory_space<vmem_shared>>
      %dma_wait3A_51 = arith.constant 0 : i32
      %dma_wait3A_52 = tpu.memref_slice %arg9[%add3A_46, %dma_wait3A_51] : memref<10240x128xf32, #tpu.memory_space<vmem_shared>> -> memref<128x128xf32, #tpu.memory_space<vmem_shared>>
      tpu.wait_dma2 semaphore(%run_scoped3A : memref<!tpu.dma_semaphore, #tpu.memory_space<semaphore_mem>>) src(%dma_wait3A_52 : memref<128x128xf32, #tpu.memory_space<vmem_shared>>) dst(%arg8 : memref<128x128xf32, #tpu.memory_space<vmem>>)
      tpu.yield
    }) : () -> ()
    "tpu.region"() ({
      %run_scoped3A = tpu.sem_alloc : memref<!tpu.dma_semaphore, #tpu.memory_space<semaphore_mem>>
      %dma_start3A = arith.constant 0 : i32
      %dma_start3A_47 = tpu.memref_slice %arg5[%arg0, %add3A_46, %dma_start3A] : memref<2x10240x128xf32, #tpu.memory_space<hbm>> -> memref<1x128x128xf32, #tpu.memory_space<hbm>>
      %dma_start3A_48 = tpu.memref_squeeze %dma_start3A_47 : memref<1x128x128xf32, #tpu.memory_space<hbm>> -> memref<128x128xf32, #tpu.memory_space<hbm>>
      %dma_start3A_49 = arith.constant 0 : i32
      %dma_start3A_50 = tpu.memref_slice %arg5[%arg0, %add3A_46, %dma_start3A_49] : memref<2x10240x128xf32, #tpu.memory_space<hbm>> -> memref<1x128x128xf32, #tpu.memory_space<hbm>>
      %dma_start3A_51 = tpu.memref_squeeze %dma_start3A_50 : memref<1x128x128xf32, #tpu.memory_space<hbm>> -> memref<128x128xf32, #tpu.memory_space<hbm>>
      tpu.enqueue_dma source(%arg8 : memref<128x128xf32, #tpu.memory_space<vmem>>) target(%dma_start3A_51 : memref<128x128xf32, #tpu.memory_space<hbm>>) target_semaphore(%run_scoped3A : memref<!tpu.dma_semaphore, #tpu.memory_space<semaphore_mem>>)
      %dma_wait3A = arith.constant 0 : i32
      %dma_wait3A_52 = tpu.memref_slice %arg5[%arg0, %add3A_46, %dma_wait3A] : memref<2x10240x128xf32, #tpu.memory_space<hbm>> -> memref<1x128x128xf32, #tpu.memory_space<hbm>>
      %dma_wait3A_53 = tpu.memref_squeeze %dma_wait3A_52 : memref<1x128x128xf32, #tpu.memory_space<hbm>> -> memref<128x128xf32, #tpu.memory_space<hbm>>
      %dma_wait3A_54 = arith.constant 0 : i32
      %dma_wait3A_55 = tpu.memref_slice %arg5[%arg0, %add3A_46, %dma_wait3A_54] : memref<2x10240x128xf32, #tpu.memory_space<hbm>> -> memref<1x128x128xf32, #tpu.memory_space<hbm>>
      %dma_wait3A_56 = tpu.memref_squeeze %dma_wait3A_55 : memref<1x128x128xf32, #tpu.memory_space<hbm>> -> memref<128x128xf32, #tpu.memory_space<hbm>>
      tpu.wait_dma2 semaphore(%run_scoped3A : memref<!tpu.dma_semaphore, #tpu.memory_space<semaphore_mem>>) src(%arg8 : memref<128x128xf32, #tpu.memory_space<vmem>>) dst(%dma_wait3A_56 : memref<128x128xf32, #tpu.memory_space<hbm>>)
      tpu.yield
    }) : () -> ()
    return
  }
}

#map = affine_map<(d0, d1) -> (0, 0)>
#map1 = affine_map<(d0, d1) -> (0, 0, 0)>
module attributes {stable_mosaic.version = 14 : i64} {
  func.func @_edge_body(%arg0: i32, %arg1: i32, %arg2: memref<10240x128xf32, #tpu.memory_space<hbm>>, %arg3: memref<32x79x128xi32, #tpu.memory_space<hbm>>, %arg4: memref<32x79x128xi32, #tpu.memory_space<hbm>>, %arg5: memref<128x128xf32, #tpu.memory_space<hbm>>, %arg6: memref<2x10240x128xf32, #tpu.memory_space<hbm>>, %arg7: memref<79x128xi32, #tpu.memory_space<vmem>>, %arg8: memref<79x128xi32, #tpu.memory_space<vmem>>, %arg9: memref<128x128xf32, #tpu.memory_space<vmem>>, %arg10: memref<10240x128xf32, #tpu.memory_space<vmem_shared>>, %arg11: memref<!tpu.dma_semaphore, #tpu.memory_space<semaphore_mem>>) attributes {dimension_semantics = [#tpu.dimension_semantics<core_parallel>, #tpu.dimension_semantics<subcore_parallel>], iteration_bounds = array<i64: 2, 16>, scalar_prefetch = 0 : i64, scratch_operands = 5 : i64, tpu.core_type = #tpu.core_type<sc_vector_subcore>, window_params = [{transform_indices = #map}, {transform_indices = #map1}, {transform_indices = #map1}, {transform_indices = #map}, {transform_indices = #map1}]} {
    %mul3A = arith.constant 2 : i32
    %mul3A_0 = arith.muli %arg1, %mul3A : i32
    %add3A = arith.addi %mul3A_0, %arg0 : i32
    "tpu.region"() ({
      %run_scoped3A = tpu.sem_alloc : memref<!tpu.dma_semaphore, #tpu.memory_space<semaphore_mem>>
      %dma_start3A = arith.constant 0 : i32
      %dma_start3A_47 = arith.constant 0 : i32
      %dma_start3A_48 = tpu.memref_slice %arg3[%add3A, %dma_start3A, %dma_start3A_47] : memref<32x79x128xi32, #tpu.memory_space<hbm>> -> memref<1x79x128xi32, #tpu.memory_space<hbm>>
      %dma_start3A_49 = tpu.memref_squeeze %dma_start3A_48 : memref<1x79x128xi32, #tpu.memory_space<hbm>> -> memref<79x128xi32, #tpu.memory_space<hbm>>
      %dma_start3A_50 = arith.constant 0 : i32
      %dma_start3A_51 = arith.constant 0 : i32
      %dma_start3A_52 = tpu.memref_slice %arg3[%add3A, %dma_start3A_50, %dma_start3A_51] : memref<32x79x128xi32, #tpu.memory_space<hbm>> -> memref<1x79x128xi32, #tpu.memory_space<hbm>>
      %dma_start3A_53 = tpu.memref_squeeze %dma_start3A_52 : memref<1x79x128xi32, #tpu.memory_space<hbm>> -> memref<79x128xi32, #tpu.memory_space<hbm>>
      tpu.enqueue_dma source(%dma_start3A_53 : memref<79x128xi32, #tpu.memory_space<hbm>>) target(%arg7 : memref<79x128xi32, #tpu.memory_space<vmem>>) target_semaphore(%run_scoped3A : memref<!tpu.dma_semaphore, #tpu.memory_space<semaphore_mem>>)
      %dma_wait3A = arith.constant 0 : i32
      %dma_wait3A_54 = arith.constant 0 : i32
      %dma_wait3A_55 = tpu.memref_slice %arg3[%add3A, %dma_wait3A, %dma_wait3A_54] : memref<32x79x128xi32, #tpu.memory_space<hbm>> -> memref<1x79x128xi32, #tpu.memory_space<hbm>>
      %dma_wait3A_56 = tpu.memref_squeeze %dma_wait3A_55 : memref<1x79x128xi32, #tpu.memory_space<hbm>> -> memref<79x128xi32, #tpu.memory_space<hbm>>
      %dma_wait3A_57 = arith.constant 0 : i32
      %dma_wait3A_58 = arith.constant 0 : i32
      %dma_wait3A_59 = tpu.memref_slice %arg3[%add3A, %dma_wait3A_57, %dma_wait3A_58] : memref<32x79x128xi32, #tpu.memory_space<hbm>> -> memref<1x79x128xi32, #tpu.memory_space<hbm>>
      %dma_wait3A_60 = tpu.memref_squeeze %dma_wait3A_59 : memref<1x79x128xi32, #tpu.memory_space<hbm>> -> memref<79x128xi32, #tpu.memory_space<hbm>>
      tpu.wait_dma2 semaphore(%run_scoped3A : memref<!tpu.dma_semaphore, #tpu.memory_space<semaphore_mem>>) src(%dma_wait3A_60 : memref<79x128xi32, #tpu.memory_space<hbm>>) dst(%arg7 : memref<79x128xi32, #tpu.memory_space<vmem>>)
      tpu.yield
    }) : () -> ()
    "tpu.region"() ({
      %run_scoped3A = tpu.sem_alloc : memref<!tpu.dma_semaphore, #tpu.memory_space<semaphore_mem>>
      %dma_start3A = arith.constant 0 : i32
      %dma_start3A_47 = arith.constant 0 : i32
      %dma_start3A_48 = tpu.memref_slice %arg4[%add3A, %dma_start3A, %dma_start3A_47] : memref<32x79x128xi32, #tpu.memory_space<hbm>> -> memref<1x79x128xi32, #tpu.memory_space<hbm>>
      %dma_start3A_49 = tpu.memref_squeeze %dma_start3A_48 : memref<1x79x128xi32, #tpu.memory_space<hbm>> -> memref<79x128xi32, #tpu.memory_space<hbm>>
      %dma_start3A_50 = arith.constant 0 : i32
      %dma_start3A_51 = arith.constant 0 : i32
      %dma_start3A_52 = tpu.memref_slice %arg4[%add3A, %dma_start3A_50, %dma_start3A_51] : memref<32x79x128xi32, #tpu.memory_space<hbm>> -> memref<1x79x128xi32, #tpu.memory_space<hbm>>
      %dma_start3A_53 = tpu.memref_squeeze %dma_start3A_52 : memref<1x79x128xi32, #tpu.memory_space<hbm>> -> memref<79x128xi32, #tpu.memory_space<hbm>>
      tpu.enqueue_dma source(%dma_start3A_53 : memref<79x128xi32, #tpu.memory_space<hbm>>) target(%arg8 : memref<79x128xi32, #tpu.memory_space<vmem>>) target_semaphore(%run_scoped3A : memref<!tpu.dma_semaphore, #tpu.memory_space<semaphore_mem>>)
      %dma_wait3A = arith.constant 0 : i32
      %dma_wait3A_54 = arith.constant 0 : i32
      %dma_wait3A_55 = tpu.memref_slice %arg4[%add3A, %dma_wait3A, %dma_wait3A_54] : memref<32x79x128xi32, #tpu.memory_space<hbm>> -> memref<1x79x128xi32, #tpu.memory_space<hbm>>
      %dma_wait3A_56 = tpu.memref_squeeze %dma_wait3A_55 : memref<1x79x128xi32, #tpu.memory_space<hbm>> -> memref<79x128xi32, #tpu.memory_space<hbm>>
      %dma_wait3A_57 = arith.constant 0 : i32
      %dma_wait3A_58 = arith.constant 0 : i32
      %dma_wait3A_59 = tpu.memref_slice %arg4[%add3A, %dma_wait3A_57, %dma_wait3A_58] : memref<32x79x128xi32, #tpu.memory_space<hbm>> -> memref<1x79x128xi32, #tpu.memory_space<hbm>>
      %dma_wait3A_60 = tpu.memref_squeeze %dma_wait3A_59 : memref<1x79x128xi32, #tpu.memory_space<hbm>> -> memref<79x128xi32, #tpu.memory_space<hbm>>
      tpu.wait_dma2 semaphore(%run_scoped3A : memref<!tpu.dma_semaphore, #tpu.memory_space<semaphore_mem>>) src(%dma_wait3A_60 : memref<79x128xi32, #tpu.memory_space<hbm>>) dst(%arg8 : memref<79x128xi32, #tpu.memory_space<vmem>>)
      tpu.yield
    }) : () -> ()
    "tpu.region"() ({
      %run_scoped3A = tpu.sem_alloc : memref<!tpu.dma_semaphore, #tpu.memory_space<semaphore_mem>>
      tpu.enqueue_dma source(%arg5 : memref<128x128xf32, #tpu.memory_space<hbm>>) target(%arg9 : memref<128x128xf32, #tpu.memory_space<vmem>>) target_semaphore(%run_scoped3A : memref<!tpu.dma_semaphore, #tpu.memory_space<semaphore_mem>>)
      tpu.wait_dma2 semaphore(%run_scoped3A : memref<!tpu.dma_semaphore, #tpu.memory_space<semaphore_mem>>) src(%arg5 : memref<128x128xf32, #tpu.memory_space<hbm>>) dst(%arg9 : memref<128x128xf32, #tpu.memory_space<vmem>>)
      tpu.yield
    }) : () -> ()
    %mul3A_1 = arith.constant 640 : i32
    %mul3A_2 = arith.muli %arg1, %mul3A_1 : i32
    %add3A_3 = arith.constant 0 : i32
    %add3A_4 = arith.addi %mul3A_2, %add3A_3 : i32
    "tpu.region"() ({
      %run_scoped3A = tpu.sem_alloc : memref<!tpu.dma_semaphore, #tpu.memory_space<semaphore_mem>>
      %dma_start3A = arith.constant 0 : i32
      %dma_start3A_47 = tpu.memref_slice %arg10[%add3A_4, %dma_start3A] : memref<10240x128xf32, #tpu.memory_space<vmem_shared>> -> memref<128x128xf32, #tpu.memory_space<vmem_shared>>
      %dma_start3A_48 = arith.constant 0 : i32
      %dma_start3A_49 = tpu.memref_slice %arg10[%add3A_4, %dma_start3A_48] : memref<10240x128xf32, #tpu.memory_space<vmem_shared>> -> memref<128x128xf32, #tpu.memory_space<vmem_shared>>
      tpu.enqueue_dma source(%arg9 : memref<128x128xf32, #tpu.memory_space<vmem>>) target(%dma_start3A_49 : memref<128x128xf32, #tpu.memory_space<vmem_shared>>) target_semaphore(%run_scoped3A : memref<!tpu.dma_semaphore, #tpu.memory_space<semaphore_mem>>)
      %dma_wait3A = arith.constant 0 : i32
      %dma_wait3A_50 = tpu.memref_slice %arg10[%add3A_4, %dma_wait3A] : memref<10240x128xf32, #tpu.memory_space<vmem_shared>> -> memref<128x128xf32, #tpu.memory_space<vmem_shared>>
      %dma_wait3A_51 = arith.constant 0 : i32
      %dma_wait3A_52 = tpu.memref_slice %arg10[%add3A_4, %dma_wait3A_51] : memref<10240x128xf32, #tpu.memory_space<vmem_shared>> -> memref<128x128xf32, #tpu.memory_space<vmem_shared>>
      tpu.wait_dma2 semaphore(%run_scoped3A : memref<!tpu.dma_semaphore, #tpu.memory_space<semaphore_mem>>) src(%arg9 : memref<128x128xf32, #tpu.memory_space<vmem>>) dst(%dma_wait3A_52 : memref<128x128xf32, #tpu.memory_space<vmem_shared>>)
      tpu.yield
    }) : () -> ()
    %mul3A_5 = arith.constant 640 : i32
    %mul3A_6 = arith.muli %arg1, %mul3A_5 : i32
    %add3A_7 = arith.constant 128 : i32
    %add3A_8 = arith.addi %mul3A_6, %add3A_7 : i32
    "tpu.region"() ({
      %run_scoped3A = tpu.sem_alloc : memref<!tpu.dma_semaphore, #tpu.memory_space<semaphore_mem>>
      %dma_start3A = arith.constant 0 : i32
      %dma_start3A_47 = tpu.memref_slice %arg10[%add3A_8, %dma_start3A] : memref<10240x128xf32, #tpu.memory_space<vmem_shared>> -> memref<128x128xf32, #tpu.memory_space<vmem_shared>>
      %dma_start3A_48 = arith.constant 0 : i32
      %dma_start3A_49 = tpu.memref_slice %arg10[%add3A_8, %dma_start3A_48] : memref<10240x128xf32, #tpu.memory_space<vmem_shared>> -> memref<128x128xf32, #tpu.memory_space<vmem_shared>>
      tpu.enqueue_dma source(%arg9 : memref<128x128xf32, #tpu.memory_space<vmem>>) target(%dma_start3A_49 : memref<128x128xf32, #tpu.memory_space<vmem_shared>>) target_semaphore(%run_scoped3A : memref<!tpu.dma_semaphore, #tpu.memory_space<semaphore_mem>>)
      %dma_wait3A = arith.constant 0 : i32
      %dma_wait3A_50 = tpu.memref_slice %arg10[%add3A_8, %dma_wait3A] : memref<10240x128xf32, #tpu.memory_space<vmem_shared>> -> memref<128x128xf32, #tpu.memory_space<vmem_shared>>
      %dma_wait3A_51 = arith.constant 0 : i32
      %dma_wait3A_52 = tpu.memref_slice %arg10[%add3A_8, %dma_wait3A_51] : memref<10240x128xf32, #tpu.memory_space<vmem_shared>> -> memref<128x128xf32, #tpu.memory_space<vmem_shared>>
      tpu.wait_dma2 semaphore(%run_scoped3A : memref<!tpu.dma_semaphore, #tpu.memory_space<semaphore_mem>>) src(%arg9 : memref<128x128xf32, #tpu.memory_space<vmem>>) dst(%dma_wait3A_52 : memref<128x128xf32, #tpu.memory_space<vmem_shared>>)
      tpu.yield
    }) : () -> ()
    %mul3A_9 = arith.constant 640 : i32
    %mul3A_10 = arith.muli %arg1, %mul3A_9 : i32
    %add3A_11 = arith.constant 256 : i32
    %add3A_12 = arith.addi %mul3A_10, %add3A_11 : i32
    "tpu.region"() ({
      %run_scoped3A = tpu.sem_alloc : memref<!tpu.dma_semaphore, #tpu.memory_space<semaphore_mem>>
      %dma_start3A = arith.constant 0 : i32
      %dma_start3A_47 = tpu.memref_slice %arg10[%add3A_12, %dma_start3A] : memref<10240x128xf32, #tpu.memory_space<vmem_shared>> -> memref<128x128xf32, #tpu.memory_space<vmem_shared>>
      %dma_start3A_48 = arith.constant 0 : i32
      %dma_start3A_49 = tpu.memref_slice %arg10[%add3A_12, %dma_start3A_48] : memref<10240x128xf32, #tpu.memory_space<vmem_shared>> -> memref<128x128xf32, #tpu.memory_space<vmem_shared>>
      tpu.enqueue_dma source(%arg9 : memref<128x128xf32, #tpu.memory_space<vmem>>) target(%dma_start3A_49 : memref<128x128xf32, #tpu.memory_space<vmem_shared>>) target_semaphore(%run_scoped3A : memref<!tpu.dma_semaphore, #tpu.memory_space<semaphore_mem>>)
      %dma_wait3A = arith.constant 0 : i32
      %dma_wait3A_50 = tpu.memref_slice %arg10[%add3A_12, %dma_wait3A] : memref<10240x128xf32, #tpu.memory_space<vmem_shared>> -> memref<128x128xf32, #tpu.memory_space<vmem_shared>>
      %dma_wait3A_51 = arith.constant 0 : i32
      %dma_wait3A_52 = tpu.memref_slice %arg10[%add3A_12, %dma_wait3A_51] : memref<10240x128xf32, #tpu.memory_space<vmem_shared>> -> memref<128x128xf32, #tpu.memory_space<vmem_shared>>
      tpu.wait_dma2 semaphore(%run_scoped3A : memref<!tpu.dma_semaphore, #tpu.memory_space<semaphore_mem>>) src(%arg9 : memref<128x128xf32, #tpu.memory_space<vmem>>) dst(%dma_wait3A_52 : memref<128x128xf32, #tpu.memory_space<vmem_shared>>)
      tpu.yield
    }) : () -> ()
    %mul3A_13 = arith.constant 640 : i32
    %mul3A_14 = arith.muli %arg1, %mul3A_13 : i32
    %add3A_15 = arith.constant 384 : i32
    %add3A_16 = arith.addi %mul3A_14, %add3A_15 : i32
    "tpu.region"() ({
      %run_scoped3A = tpu.sem_alloc : memref<!tpu.dma_semaphore, #tpu.memory_space<semaphore_mem>>
      %dma_start3A = arith.constant 0 : i32
      %dma_start3A_47 = tpu.memref_slice %arg10[%add3A_16, %dma_start3A] : memref<10240x128xf32, #tpu.memory_space<vmem_shared>> -> memref<128x128xf32, #tpu.memory_space<vmem_shared>>
      %dma_start3A_48 = arith.constant 0 : i32
      %dma_start3A_49 = tpu.memref_slice %arg10[%add3A_16, %dma_start3A_48] : memref<10240x128xf32, #tpu.memory_space<vmem_shared>> -> memref<128x128xf32, #tpu.memory_space<vmem_shared>>
      tpu.enqueue_dma source(%arg9 : memref<128x128xf32, #tpu.memory_space<vmem>>) target(%dma_start3A_49 : memref<128x128xf32, #tpu.memory_space<vmem_shared>>) target_semaphore(%run_scoped3A : memref<!tpu.dma_semaphore, #tpu.memory_space<semaphore_mem>>)
      %dma_wait3A = arith.constant 0 : i32
      %dma_wait3A_50 = tpu.memref_slice %arg10[%add3A_16, %dma_wait3A] : memref<10240x128xf32, #tpu.memory_space<vmem_shared>> -> memref<128x128xf32, #tpu.memory_space<vmem_shared>>
      %dma_wait3A_51 = arith.constant 0 : i32
      %dma_wait3A_52 = tpu.memref_slice %arg10[%add3A_16, %dma_wait3A_51] : memref<10240x128xf32, #tpu.memory_space<vmem_shared>> -> memref<128x128xf32, #tpu.memory_space<vmem_shared>>
      tpu.wait_dma2 semaphore(%run_scoped3A : memref<!tpu.dma_semaphore, #tpu.memory_space<semaphore_mem>>) src(%arg9 : memref<128x128xf32, #tpu.memory_space<vmem>>) dst(%dma_wait3A_52 : memref<128x128xf32, #tpu.memory_space<vmem_shared>>)
      tpu.yield
    }) : () -> ()
    %mul3A_17 = arith.constant 640 : i32
    %mul3A_18 = arith.muli %arg1, %mul3A_17 : i32
    %add3A_19 = arith.constant 512 : i32
    %add3A_20 = arith.addi %mul3A_18, %add3A_19 : i32
    "tpu.region"() ({
      %run_scoped3A = tpu.sem_alloc : memref<!tpu.dma_semaphore, #tpu.memory_space<semaphore_mem>>
      %dma_start3A = arith.constant 0 : i32
      %dma_start3A_47 = tpu.memref_slice %arg10[%add3A_20, %dma_start3A] : memref<10240x128xf32, #tpu.memory_space<vmem_shared>> -> memref<128x128xf32, #tpu.memory_space<vmem_shared>>
      %dma_start3A_48 = arith.constant 0 : i32
      %dma_start3A_49 = tpu.memref_slice %arg10[%add3A_20, %dma_start3A_48] : memref<10240x128xf32, #tpu.memory_space<vmem_shared>> -> memref<128x128xf32, #tpu.memory_space<vmem_shared>>
      tpu.enqueue_dma source(%arg9 : memref<128x128xf32, #tpu.memory_space<vmem>>) target(%dma_start3A_49 : memref<128x128xf32, #tpu.memory_space<vmem_shared>>) target_semaphore(%run_scoped3A : memref<!tpu.dma_semaphore, #tpu.memory_space<semaphore_mem>>)
      %dma_wait3A = arith.constant 0 : i32
      %dma_wait3A_50 = tpu.memref_slice %arg10[%add3A_20, %dma_wait3A] : memref<10240x128xf32, #tpu.memory_space<vmem_shared>> -> memref<128x128xf32, #tpu.memory_space<vmem_shared>>
      %dma_wait3A_51 = arith.constant 0 : i32
      %dma_wait3A_52 = tpu.memref_slice %arg10[%add3A_20, %dma_wait3A_51] : memref<10240x128xf32, #tpu.memory_space<vmem_shared>> -> memref<128x128xf32, #tpu.memory_space<vmem_shared>>
      tpu.wait_dma2 semaphore(%run_scoped3A : memref<!tpu.dma_semaphore, #tpu.memory_space<semaphore_mem>>) src(%arg9 : memref<128x128xf32, #tpu.memory_space<vmem>>) dst(%dma_wait3A_52 : memref<128x128xf32, #tpu.memory_space<vmem_shared>>)
      tpu.yield
    }) : () -> ()
    %barrier3A = arith.constant 0 : index
    tpu.barrier barrier_id(%barrier3A)
    %scan3A = arith.constant 0 : i32
    %scan3A_21 = arith.constant 0 : i32
    %scan3A_22 = arith.constant 79 : i32
    %scan3A_23 = arith.addi %scan3A_21, %scan3A_22 : i32
    %scan3A_24 = arith.constant 1 : i32
    scf.for %scan3A_47 = %scan3A_21 to %scan3A_23 step %scan3A_24  : i32 {
      %dma_start3A = arith.constant 0 : i32
      %dma_start3A_48 = tpu.memref_slice %arg7[%scan3A_47, %dma_start3A] : memref<79x128xi32, #tpu.memory_space<vmem>> -> memref<1x128xi32, #tpu.memory_space<vmem>>
      %dma_start3A_49 = tpu.memref_squeeze %dma_start3A_48 : memref<1x128xi32, #tpu.memory_space<vmem>> -> memref<128xi32, #tpu.memory_space<vmem>>
      %dma_start3A_50 = arith.constant 0 : i32
      %dma_start3A_51 = arith.constant 0 : i32
      %dma_start3A_52 = tpu.memref_slice %arg2[%dma_start3A_50, %dma_start3A_51] : memref<10240x128xf32, #tpu.memory_space<hbm>> -> memref<10240x128xf32, #tpu.memory_space<hbm>>
      tpu.enqueue_indirect_dma source(%dma_start3A_52 : memref<10240x128xf32, #tpu.memory_space<hbm>>) target(%arg9 : memref<128x128xf32, #tpu.memory_space<vmem>>) offsets(%dma_start3A_49 : memref<128xi32, #tpu.memory_space<vmem>>) semaphore(%arg11 : memref<!tpu.dma_semaphore, #tpu.memory_space<semaphore_mem>>)
      %dma_wait3A = arith.constant 0 : i32
      %dma_wait3A_53 = tpu.memref_slice %arg7[%scan3A_47, %dma_wait3A] : memref<79x128xi32, #tpu.memory_space<vmem>> -> memref<1x128xi32, #tpu.memory_space<vmem>>
      %dma_wait3A_54 = tpu.memref_squeeze %dma_wait3A_53 : memref<1x128xi32, #tpu.memory_space<vmem>> -> memref<128xi32, #tpu.memory_space<vmem>>
      %dma_wait3A_55 = arith.constant 0 : i32
      %dma_wait3A_56 = arith.constant 0 : i32
      %dma_wait3A_57 = tpu.memref_slice %arg2[%dma_wait3A_55, %dma_wait3A_56] : memref<10240x128xf32, #tpu.memory_space<hbm>> -> memref<10240x128xf32, #tpu.memory_space<hbm>>
      tpu.wait_indirect_dma semaphore(%arg11 : memref<!tpu.dma_semaphore, #tpu.memory_space<semaphore_mem>>) src(%dma_wait3A_57 : memref<10240x128xf32, #tpu.memory_space<hbm>>) dst(%arg9 : memref<128x128xf32, #tpu.memory_space<vmem>>)
      "tpu.region"() ({
        %run_scoped3A = tpu.sem_alloc : memref<!tpu.dma_semaphore, #tpu.memory_space<semaphore_mem>>
        %dma_start3A_58 = arith.constant 0 : i32
        %dma_start3A_59 = tpu.memref_slice %arg8[%scan3A_47, %dma_start3A_58] : memref<79x128xi32, #tpu.memory_space<vmem>> -> memref<1x128xi32, #tpu.memory_space<vmem>>
        %dma_start3A_60 = tpu.memref_squeeze %dma_start3A_59 : memref<1x128xi32, #tpu.memory_space<vmem>> -> memref<128xi32, #tpu.memory_space<vmem>>
        %dma_start3A_61 = arith.constant 0 : i32
        %dma_start3A_62 = arith.constant 0 : i32
        %dma_start3A_63 = tpu.memref_slice %arg10[%dma_start3A_61, %dma_start3A_62] : memref<10240x128xf32, #tpu.memory_space<vmem_shared>> -> memref<10240x128xf32, #tpu.memory_space<vmem_shared>>
        tpu.enqueue_indirect_dma source(%arg9 : memref<128x128xf32, #tpu.memory_space<vmem>>) target(%dma_start3A_63 : memref<10240x128xf32, #tpu.memory_space<vmem_shared>>) offsets(%dma_start3A_60 : memref<128xi32, #tpu.memory_space<vmem>>) semaphore(%run_scoped3A : memref<!tpu.dma_semaphore, #tpu.memory_space<semaphore_mem>>) {add = true}
        %dma_wait3A_64 = arith.constant 0 : i32
        %dma_wait3A_65 = tpu.memref_slice %arg8[%scan3A_47, %dma_wait3A_64] : memref<79x128xi32, #tpu.memory_space<vmem>> -> memref<1x128xi32, #tpu.memory_space<vmem>>
        %dma_wait3A_66 = tpu.memref_squeeze %dma_wait3A_65 : memref<1x128xi32, #tpu.memory_space<vmem>> -> memref<128xi32, #tpu.memory_space<vmem>>
        %dma_wait3A_67 = arith.constant 0 : i32
        %dma_wait3A_68 = arith.constant 0 : i32
        %dma_wait3A_69 = tpu.memref_slice %arg10[%dma_wait3A_67, %dma_wait3A_68] : memref<10240x128xf32, #tpu.memory_space<vmem_shared>> -> memref<10240x128xf32, #tpu.memory_space<vmem_shared>>
        tpu.wait_indirect_dma semaphore(%run_scoped3A : memref<!tpu.dma_semaphore, #tpu.memory_space<semaphore_mem>>) src(%arg9 : memref<128x128xf32, #tpu.memory_space<vmem>>) dst(%dma_wait3A_69 : memref<10240x128xf32, #tpu.memory_space<vmem_shared>>)
        tpu.yield
      }) : () -> ()
    }
    %scan3A_25 = arith.constant 79 : i32
    %barrier3A_26 = arith.constant 0 : index
    tpu.barrier barrier_id(%barrier3A_26)
    %mul3A_27 = arith.constant 640 : i32
    %mul3A_28 = arith.muli %arg1, %mul3A_27 : i32
    %add3A_29 = arith.constant 0 : i32
    %add3A_30 = arith.addi %mul3A_28, %add3A_29 : i32
    "tpu.region"() ({
      %run_scoped3A = tpu.sem_alloc : memref<!tpu.dma_semaphore, #tpu.memory_space<semaphore_mem>>
      %dma_start3A = arith.constant 0 : i32
      %dma_start3A_47 = tpu.memref_slice %arg10[%add3A_30, %dma_start3A] : memref<10240x128xf32, #tpu.memory_space<vmem_shared>> -> memref<128x128xf32, #tpu.memory_space<vmem_shared>>
      %dma_start3A_48 = arith.constant 0 : i32
      %dma_start3A_49 = tpu.memref_slice %arg10[%add3A_30, %dma_start3A_48] : memref<10240x128xf32, #tpu.memory_space<vmem_shared>> -> memref<128x128xf32, #tpu.memory_space<vmem_shared>>
      tpu.enqueue_dma source(%dma_start3A_49 : memref<128x128xf32, #tpu.memory_space<vmem_shared>>) target(%arg9 : memref<128x128xf32, #tpu.memory_space<vmem>>) target_semaphore(%run_scoped3A : memref<!tpu.dma_semaphore, #tpu.memory_space<semaphore_mem>>)
      %dma_wait3A = arith.constant 0 : i32
      %dma_wait3A_50 = tpu.memref_slice %arg10[%add3A_30, %dma_wait3A] : memref<10240x128xf32, #tpu.memory_space<vmem_shared>> -> memref<128x128xf32, #tpu.memory_space<vmem_shared>>
      %dma_wait3A_51 = arith.constant 0 : i32
      %dma_wait3A_52 = tpu.memref_slice %arg10[%add3A_30, %dma_wait3A_51] : memref<10240x128xf32, #tpu.memory_space<vmem_shared>> -> memref<128x128xf32, #tpu.memory_space<vmem_shared>>
      tpu.wait_dma2 semaphore(%run_scoped3A : memref<!tpu.dma_semaphore, #tpu.memory_space<semaphore_mem>>) src(%dma_wait3A_52 : memref<128x128xf32, #tpu.memory_space<vmem_shared>>) dst(%arg9 : memref<128x128xf32, #tpu.memory_space<vmem>>)
      tpu.yield
    }) : () -> ()
    "tpu.region"() ({
      %run_scoped3A = tpu.sem_alloc : memref<!tpu.dma_semaphore, #tpu.memory_space<semaphore_mem>>
      %dma_start3A = arith.constant 0 : i32
      %dma_start3A_47 = tpu.memref_slice %arg6[%arg0, %add3A_30, %dma_start3A] : memref<2x10240x128xf32, #tpu.memory_space<hbm>> -> memref<1x128x128xf32, #tpu.memory_space<hbm>>
      %dma_start3A_48 = tpu.memref_squeeze %dma_start3A_47 : memref<1x128x128xf32, #tpu.memory_space<hbm>> -> memref<128x128xf32, #tpu.memory_space<hbm>>
      %dma_start3A_49 = arith.constant 0 : i32
      %dma_start3A_50 = tpu.memref_slice %arg6[%arg0, %add3A_30, %dma_start3A_49] : memref<2x10240x128xf32, #tpu.memory_space<hbm>> -> memref<1x128x128xf32, #tpu.memory_space<hbm>>
      %dma_start3A_51 = tpu.memref_squeeze %dma_start3A_50 : memref<1x128x128xf32, #tpu.memory_space<hbm>> -> memref<128x128xf32, #tpu.memory_space<hbm>>
      tpu.enqueue_dma source(%arg9 : memref<128x128xf32, #tpu.memory_space<vmem>>) target(%dma_start3A_51 : memref<128x128xf32, #tpu.memory_space<hbm>>) target_semaphore(%run_scoped3A : memref<!tpu.dma_semaphore, #tpu.memory_space<semaphore_mem>>)
      %dma_wait3A = arith.constant 0 : i32
      %dma_wait3A_52 = tpu.memref_slice %arg6[%arg0, %add3A_30, %dma_wait3A] : memref<2x10240x128xf32, #tpu.memory_space<hbm>> -> memref<1x128x128xf32, #tpu.memory_space<hbm>>
      %dma_wait3A_53 = tpu.memref_squeeze %dma_wait3A_52 : memref<1x128x128xf32, #tpu.memory_space<hbm>> -> memref<128x128xf32, #tpu.memory_space<hbm>>
      %dma_wait3A_54 = arith.constant 0 : i32
      %dma_wait3A_55 = tpu.memref_slice %arg6[%arg0, %add3A_30, %dma_wait3A_54] : memref<2x10240x128xf32, #tpu.memory_space<hbm>> -> memref<1x128x128xf32, #tpu.memory_space<hbm>>
      %dma_wait3A_56 = tpu.memref_squeeze %dma_wait3A_55 : memref<1x128x128xf32, #tpu.memory_space<hbm>> -> memref<128x128xf32, #tpu.memory_space<hbm>>
      tpu.wait_dma2 semaphore(%run_scoped3A : memref<!tpu.dma_semaphore, #tpu.memory_space<semaphore_mem>>) src(%arg9 : memref<128x128xf32, #tpu.memory_space<vmem>>) dst(%dma_wait3A_56 : memref<128x128xf32, #tpu.memory_space<hbm>>)
      tpu.yield
    }) : () -> ()
    %mul3A_31 = arith.constant 640 : i32
    %mul3A_32 = arith.muli %arg1, %mul3A_31 : i32
    %add3A_33 = arith.constant 128 : i32
    %add3A_34 = arith.addi %mul3A_32, %add3A_33 : i32
    "tpu.region"() ({
      %run_scoped3A = tpu.sem_alloc : memref<!tpu.dma_semaphore, #tpu.memory_space<semaphore_mem>>
      %dma_start3A = arith.constant 0 : i32
      %dma_start3A_47 = tpu.memref_slice %arg10[%add3A_34, %dma_start3A] : memref<10240x128xf32, #tpu.memory_space<vmem_shared>> -> memref<128x128xf32, #tpu.memory_space<vmem_shared>>
      %dma_start3A_48 = arith.constant 0 : i32
      %dma_start3A_49 = tpu.memref_slice %arg10[%add3A_34, %dma_start3A_48] : memref<10240x128xf32, #tpu.memory_space<vmem_shared>> -> memref<128x128xf32, #tpu.memory_space<vmem_shared>>
      tpu.enqueue_dma source(%dma_start3A_49 : memref<128x128xf32, #tpu.memory_space<vmem_shared>>) target(%arg9 : memref<128x128xf32, #tpu.memory_space<vmem>>) target_semaphore(%run_scoped3A : memref<!tpu.dma_semaphore, #tpu.memory_space<semaphore_mem>>)
      %dma_wait3A = arith.constant 0 : i32
      %dma_wait3A_50 = tpu.memref_slice %arg10[%add3A_34, %dma_wait3A] : memref<10240x128xf32, #tpu.memory_space<vmem_shared>> -> memref<128x128xf32, #tpu.memory_space<vmem_shared>>
      %dma_wait3A_51 = arith.constant 0 : i32
      %dma_wait3A_52 = tpu.memref_slice %arg10[%add3A_34, %dma_wait3A_51] : memref<10240x128xf32, #tpu.memory_space<vmem_shared>> -> memref<128x128xf32, #tpu.memory_space<vmem_shared>>
      tpu.wait_dma2 semaphore(%run_scoped3A : memref<!tpu.dma_semaphore, #tpu.memory_space<semaphore_mem>>) src(%dma_wait3A_52 : memref<128x128xf32, #tpu.memory_space<vmem_shared>>) dst(%arg9 : memref<128x128xf32, #tpu.memory_space<vmem>>)
      tpu.yield
    }) : () -> ()
    "tpu.region"() ({
      %run_scoped3A = tpu.sem_alloc : memref<!tpu.dma_semaphore, #tpu.memory_space<semaphore_mem>>
      %dma_start3A = arith.constant 0 : i32
      %dma_start3A_47 = tpu.memref_slice %arg6[%arg0, %add3A_34, %dma_start3A] : memref<2x10240x128xf32, #tpu.memory_space<hbm>> -> memref<1x128x128xf32, #tpu.memory_space<hbm>>
      %dma_start3A_48 = tpu.memref_squeeze %dma_start3A_47 : memref<1x128x128xf32, #tpu.memory_space<hbm>> -> memref<128x128xf32, #tpu.memory_space<hbm>>
      %dma_start3A_49 = arith.constant 0 : i32
      %dma_start3A_50 = tpu.memref_slice %arg6[%arg0, %add3A_34, %dma_start3A_49] : memref<2x10240x128xf32, #tpu.memory_space<hbm>> -> memref<1x128x128xf32, #tpu.memory_space<hbm>>
      %dma_start3A_51 = tpu.memref_squeeze %dma_start3A_50 : memref<1x128x128xf32, #tpu.memory_space<hbm>> -> memref<128x128xf32, #tpu.memory_space<hbm>>
      tpu.enqueue_dma source(%arg9 : memref<128x128xf32, #tpu.memory_space<vmem>>) target(%dma_start3A_51 : memref<128x128xf32, #tpu.memory_space<hbm>>) target_semaphore(%run_scoped3A : memref<!tpu.dma_semaphore, #tpu.memory_space<semaphore_mem>>)
      %dma_wait3A = arith.constant 0 : i32
      %dma_wait3A_52 = tpu.memref_slice %arg6[%arg0, %add3A_34, %dma_wait3A] : memref<2x10240x128xf32, #tpu.memory_space<hbm>> -> memref<1x128x128xf32, #tpu.memory_space<hbm>>
      %dma_wait3A_53 = tpu.memref_squeeze %dma_wait3A_52 : memref<1x128x128xf32, #tpu.memory_space<hbm>> -> memref<128x128xf32, #tpu.memory_space<hbm>>
      %dma_wait3A_54 = arith.constant 0 : i32
      %dma_wait3A_55 = tpu.memref_slice %arg6[%arg0, %add3A_34, %dma_wait3A_54] : memref<2x10240x128xf32, #tpu.memory_space<hbm>> -> memref<1x128x128xf32, #tpu.memory_space<hbm>>
      %dma_wait3A_56 = tpu.memref_squeeze %dma_wait3A_55 : memref<1x128x128xf32, #tpu.memory_space<hbm>> -> memref<128x128xf32, #tpu.memory_space<hbm>>
      tpu.wait_dma2 semaphore(%run_scoped3A : memref<!tpu.dma_semaphore, #tpu.memory_space<semaphore_mem>>) src(%arg9 : memref<128x128xf32, #tpu.memory_space<vmem>>) dst(%dma_wait3A_56 : memref<128x128xf32, #tpu.memory_space<hbm>>)
      tpu.yield
    }) : () -> ()
    %mul3A_35 = arith.constant 640 : i32
    %mul3A_36 = arith.muli %arg1, %mul3A_35 : i32
    %add3A_37 = arith.constant 256 : i32
    %add3A_38 = arith.addi %mul3A_36, %add3A_37 : i32
    "tpu.region"() ({
      %run_scoped3A = tpu.sem_alloc : memref<!tpu.dma_semaphore, #tpu.memory_space<semaphore_mem>>
      %dma_start3A = arith.constant 0 : i32
      %dma_start3A_47 = tpu.memref_slice %arg10[%add3A_38, %dma_start3A] : memref<10240x128xf32, #tpu.memory_space<vmem_shared>> -> memref<128x128xf32, #tpu.memory_space<vmem_shared>>
      %dma_start3A_48 = arith.constant 0 : i32
      %dma_start3A_49 = tpu.memref_slice %arg10[%add3A_38, %dma_start3A_48] : memref<10240x128xf32, #tpu.memory_space<vmem_shared>> -> memref<128x128xf32, #tpu.memory_space<vmem_shared>>
      tpu.enqueue_dma source(%dma_start3A_49 : memref<128x128xf32, #tpu.memory_space<vmem_shared>>) target(%arg9 : memref<128x128xf32, #tpu.memory_space<vmem>>) target_semaphore(%run_scoped3A : memref<!tpu.dma_semaphore, #tpu.memory_space<semaphore_mem>>)
      %dma_wait3A = arith.constant 0 : i32
      %dma_wait3A_50 = tpu.memref_slice %arg10[%add3A_38, %dma_wait3A] : memref<10240x128xf32, #tpu.memory_space<vmem_shared>> -> memref<128x128xf32, #tpu.memory_space<vmem_shared>>
      %dma_wait3A_51 = arith.constant 0 : i32
      %dma_wait3A_52 = tpu.memref_slice %arg10[%add3A_38, %dma_wait3A_51] : memref<10240x128xf32, #tpu.memory_space<vmem_shared>> -> memref<128x128xf32, #tpu.memory_space<vmem_shared>>
      tpu.wait_dma2 semaphore(%run_scoped3A : memref<!tpu.dma_semaphore, #tpu.memory_space<semaphore_mem>>) src(%dma_wait3A_52 : memref<128x128xf32, #tpu.memory_space<vmem_shared>>) dst(%arg9 : memref<128x128xf32, #tpu.memory_space<vmem>>)
      tpu.yield
    }) : () -> ()
    "tpu.region"() ({
      %run_scoped3A = tpu.sem_alloc : memref<!tpu.dma_semaphore, #tpu.memory_space<semaphore_mem>>
      %dma_start3A = arith.constant 0 : i32
      %dma_start3A_47 = tpu.memref_slice %arg6[%arg0, %add3A_38, %dma_start3A] : memref<2x10240x128xf32, #tpu.memory_space<hbm>> -> memref<1x128x128xf32, #tpu.memory_space<hbm>>
      %dma_start3A_48 = tpu.memref_squeeze %dma_start3A_47 : memref<1x128x128xf32, #tpu.memory_space<hbm>> -> memref<128x128xf32, #tpu.memory_space<hbm>>
      %dma_start3A_49 = arith.constant 0 : i32
      %dma_start3A_50 = tpu.memref_slice %arg6[%arg0, %add3A_38, %dma_start3A_49] : memref<2x10240x128xf32, #tpu.memory_space<hbm>> -> memref<1x128x128xf32, #tpu.memory_space<hbm>>
      %dma_start3A_51 = tpu.memref_squeeze %dma_start3A_50 : memref<1x128x128xf32, #tpu.memory_space<hbm>> -> memref<128x128xf32, #tpu.memory_space<hbm>>
      tpu.enqueue_dma source(%arg9 : memref<128x128xf32, #tpu.memory_space<vmem>>) target(%dma_start3A_51 : memref<128x128xf32, #tpu.memory_space<hbm>>) target_semaphore(%run_scoped3A : memref<!tpu.dma_semaphore, #tpu.memory_space<semaphore_mem>>)
      %dma_wait3A = arith.constant 0 : i32
      %dma_wait3A_52 = tpu.memref_slice %arg6[%arg0, %add3A_38, %dma_wait3A] : memref<2x10240x128xf32, #tpu.memory_space<hbm>> -> memref<1x128x128xf32, #tpu.memory_space<hbm>>
      %dma_wait3A_53 = tpu.memref_squeeze %dma_wait3A_52 : memref<1x128x128xf32, #tpu.memory_space<hbm>> -> memref<128x128xf32, #tpu.memory_space<hbm>>
      %dma_wait3A_54 = arith.constant 0 : i32
      %dma_wait3A_55 = tpu.memref_slice %arg6[%arg0, %add3A_38, %dma_wait3A_54] : memref<2x10240x128xf32, #tpu.memory_space<hbm>> -> memref<1x128x128xf32, #tpu.memory_space<hbm>>
      %dma_wait3A_56 = tpu.memref_squeeze %dma_wait3A_55 : memref<1x128x128xf32, #tpu.memory_space<hbm>> -> memref<128x128xf32, #tpu.memory_space<hbm>>
      tpu.wait_dma2 semaphore(%run_scoped3A : memref<!tpu.dma_semaphore, #tpu.memory_space<semaphore_mem>>) src(%arg9 : memref<128x128xf32, #tpu.memory_space<vmem>>) dst(%dma_wait3A_56 : memref<128x128xf32, #tpu.memory_space<hbm>>)
      tpu.yield
    }) : () -> ()
    %mul3A_39 = arith.constant 640 : i32
    %mul3A_40 = arith.muli %arg1, %mul3A_39 : i32
    %add3A_41 = arith.constant 384 : i32
    %add3A_42 = arith.addi %mul3A_40, %add3A_41 : i32
    "tpu.region"() ({
      %run_scoped3A = tpu.sem_alloc : memref<!tpu.dma_semaphore, #tpu.memory_space<semaphore_mem>>
      %dma_start3A = arith.constant 0 : i32
      %dma_start3A_47 = tpu.memref_slice %arg10[%add3A_42, %dma_start3A] : memref<10240x128xf32, #tpu.memory_space<vmem_shared>> -> memref<128x128xf32, #tpu.memory_space<vmem_shared>>
      %dma_start3A_48 = arith.constant 0 : i32
      %dma_start3A_49 = tpu.memref_slice %arg10[%add3A_42, %dma_start3A_48] : memref<10240x128xf32, #tpu.memory_space<vmem_shared>> -> memref<128x128xf32, #tpu.memory_space<vmem_shared>>
      tpu.enqueue_dma source(%dma_start3A_49 : memref<128x128xf32, #tpu.memory_space<vmem_shared>>) target(%arg9 : memref<128x128xf32, #tpu.memory_space<vmem>>) target_semaphore(%run_scoped3A : memref<!tpu.dma_semaphore, #tpu.memory_space<semaphore_mem>>)
      %dma_wait3A = arith.constant 0 : i32
      %dma_wait3A_50 = tpu.memref_slice %arg10[%add3A_42, %dma_wait3A] : memref<10240x128xf32, #tpu.memory_space<vmem_shared>> -> memref<128x128xf32, #tpu.memory_space<vmem_shared>>
      %dma_wait3A_51 = arith.constant 0 : i32
      %dma_wait3A_52 = tpu.memref_slice %arg10[%add3A_42, %dma_wait3A_51] : memref<10240x128xf32, #tpu.memory_space<vmem_shared>> -> memref<128x128xf32, #tpu.memory_space<vmem_shared>>
      tpu.wait_dma2 semaphore(%run_scoped3A : memref<!tpu.dma_semaphore, #tpu.memory_space<semaphore_mem>>) src(%dma_wait3A_52 : memref<128x128xf32, #tpu.memory_space<vmem_shared>>) dst(%arg9 : memref<128x128xf32, #tpu.memory_space<vmem>>)
      tpu.yield
    }) : () -> ()
    "tpu.region"() ({
      %run_scoped3A = tpu.sem_alloc : memref<!tpu.dma_semaphore, #tpu.memory_space<semaphore_mem>>
      %dma_start3A = arith.constant 0 : i32
      %dma_start3A_47 = tpu.memref_slice %arg6[%arg0, %add3A_42, %dma_start3A] : memref<2x10240x128xf32, #tpu.memory_space<hbm>> -> memref<1x128x128xf32, #tpu.memory_space<hbm>>
      %dma_start3A_48 = tpu.memref_squeeze %dma_start3A_47 : memref<1x128x128xf32, #tpu.memory_space<hbm>> -> memref<128x128xf32, #tpu.memory_space<hbm>>
      %dma_start3A_49 = arith.constant 0 : i32
      %dma_start3A_50 = tpu.memref_slice %arg6[%arg0, %add3A_42, %dma_start3A_49] : memref<2x10240x128xf32, #tpu.memory_space<hbm>> -> memref<1x128x128xf32, #tpu.memory_space<hbm>>
      %dma_start3A_51 = tpu.memref_squeeze %dma_start3A_50 : memref<1x128x128xf32, #tpu.memory_space<hbm>> -> memref<128x128xf32, #tpu.memory_space<hbm>>
      tpu.enqueue_dma source(%arg9 : memref<128x128xf32, #tpu.memory_space<vmem>>) target(%dma_start3A_51 : memref<128x128xf32, #tpu.memory_space<hbm>>) target_semaphore(%run_scoped3A : memref<!tpu.dma_semaphore, #tpu.memory_space<semaphore_mem>>)
      %dma_wait3A = arith.constant 0 : i32
      %dma_wait3A_52 = tpu.memref_slice %arg6[%arg0, %add3A_42, %dma_wait3A] : memref<2x10240x128xf32, #tpu.memory_space<hbm>> -> memref<1x128x128xf32, #tpu.memory_space<hbm>>
      %dma_wait3A_53 = tpu.memref_squeeze %dma_wait3A_52 : memref<1x128x128xf32, #tpu.memory_space<hbm>> -> memref<128x128xf32, #tpu.memory_space<hbm>>
      %dma_wait3A_54 = arith.constant 0 : i32
      %dma_wait3A_55 = tpu.memref_slice %arg6[%arg0, %add3A_42, %dma_wait3A_54] : memref<2x10240x128xf32, #tpu.memory_space<hbm>> -> memref<1x128x128xf32, #tpu.memory_space<hbm>>
      %dma_wait3A_56 = tpu.memref_squeeze %dma_wait3A_55 : memref<1x128x128xf32, #tpu.memory_space<hbm>> -> memref<128x128xf32, #tpu.memory_space<hbm>>
      tpu.wait_dma2 semaphore(%run_scoped3A : memref<!tpu.dma_semaphore, #tpu.memory_space<semaphore_mem>>) src(%arg9 : memref<128x128xf32, #tpu.memory_space<vmem>>) dst(%dma_wait3A_56 : memref<128x128xf32, #tpu.memory_space<hbm>>)
      tpu.yield
    }) : () -> ()
    %mul3A_43 = arith.constant 640 : i32
    %mul3A_44 = arith.muli %arg1, %mul3A_43 : i32
    %add3A_45 = arith.constant 512 : i32
    %add3A_46 = arith.addi %mul3A_44, %add3A_45 : i32
    "tpu.region"() ({
      %run_scoped3A = tpu.sem_alloc : memref<!tpu.dma_semaphore, #tpu.memory_space<semaphore_mem>>
      %dma_start3A = arith.constant 0 : i32
      %dma_start3A_47 = tpu.memref_slice %arg10[%add3A_46, %dma_start3A] : memref<10240x128xf32, #tpu.memory_space<vmem_shared>> -> memref<128x128xf32, #tpu.memory_space<vmem_shared>>
      %dma_start3A_48 = arith.constant 0 : i32
      %dma_start3A_49 = tpu.memref_slice %arg10[%add3A_46, %dma_start3A_48] : memref<10240x128xf32, #tpu.memory_space<vmem_shared>> -> memref<128x128xf32, #tpu.memory_space<vmem_shared>>
      tpu.enqueue_dma source(%dma_start3A_49 : memref<128x128xf32, #tpu.memory_space<vmem_shared>>) target(%arg9 : memref<128x128xf32, #tpu.memory_space<vmem>>) target_semaphore(%run_scoped3A : memref<!tpu.dma_semaphore, #tpu.memory_space<semaphore_mem>>)
      %dma_wait3A = arith.constant 0 : i32
      %dma_wait3A_50 = tpu.memref_slice %arg10[%add3A_46, %dma_wait3A] : memref<10240x128xf32, #tpu.memory_space<vmem_shared>> -> memref<128x128xf32, #tpu.memory_space<vmem_shared>>
      %dma_wait3A_51 = arith.constant 0 : i32
      %dma_wait3A_52 = tpu.memref_slice %arg10[%add3A_46, %dma_wait3A_51] : memref<10240x128xf32, #tpu.memory_space<vmem_shared>> -> memref<128x128xf32, #tpu.memory_space<vmem_shared>>
      tpu.wait_dma2 semaphore(%run_scoped3A : memref<!tpu.dma_semaphore, #tpu.memory_space<semaphore_mem>>) src(%dma_wait3A_52 : memref<128x128xf32, #tpu.memory_space<vmem_shared>>) dst(%arg9 : memref<128x128xf32, #tpu.memory_space<vmem>>)
      tpu.yield
    }) : () -> ()
    "tpu.region"() ({
      %run_scoped3A = tpu.sem_alloc : memref<!tpu.dma_semaphore, #tpu.memory_space<semaphore_mem>>
      %dma_start3A = arith.constant 0 : i32
      %dma_start3A_47 = tpu.memref_slice %arg6[%arg0, %add3A_46, %dma_start3A] : memref<2x10240x128xf32, #tpu.memory_space<hbm>> -> memref<1x128x128xf32, #tpu.memory_space<hbm>>
      %dma_start3A_48 = tpu.memref_squeeze %dma_start3A_47 : memref<1x128x128xf32, #tpu.memory_space<hbm>> -> memref<128x128xf32, #tpu.memory_space<hbm>>
      %dma_start3A_49 = arith.constant 0 : i32
      %dma_start3A_50 = tpu.memref_slice %arg6[%arg0, %add3A_46, %dma_start3A_49] : memref<2x10240x128xf32, #tpu.memory_space<hbm>> -> memref<1x128x128xf32, #tpu.memory_space<hbm>>
      %dma_start3A_51 = tpu.memref_squeeze %dma_start3A_50 : memref<1x128x128xf32, #tpu.memory_space<hbm>> -> memref<128x128xf32, #tpu.memory_space<hbm>>
      tpu.enqueue_dma source(%arg9 : memref<128x128xf32, #tpu.memory_space<vmem>>) target(%dma_start3A_51 : memref<128x128xf32, #tpu.memory_space<hbm>>) target_semaphore(%run_scoped3A : memref<!tpu.dma_semaphore, #tpu.memory_space<semaphore_mem>>)
      %dma_wait3A = arith.constant 0 : i32
      %dma_wait3A_52 = tpu.memref_slice %arg6[%arg0, %add3A_46, %dma_wait3A] : memref<2x10240x128xf32, #tpu.memory_space<hbm>> -> memref<1x128x128xf32, #tpu.memory_space<hbm>>
      %dma_wait3A_53 = tpu.memref_squeeze %dma_wait3A_52 : memref<1x128x128xf32, #tpu.memory_space<hbm>> -> memref<128x128xf32, #tpu.memory_space<hbm>>
      %dma_wait3A_54 = arith.constant 0 : i32
      %dma_wait3A_55 = tpu.memref_slice %arg6[%arg0, %add3A_46, %dma_wait3A_54] : memref<2x10240x128xf32, #tpu.memory_space<hbm>> -> memref<1x128x128xf32, #tpu.memory_space<hbm>>
      %dma_wait3A_56 = tpu.memref_squeeze %dma_wait3A_55 : memref<1x128x128xf32, #tpu.memory_space<hbm>> -> memref<128x128xf32, #tpu.memory_space<hbm>>
      tpu.wait_dma2 semaphore(%run_scoped3A : memref<!tpu.dma_semaphore, #tpu.memory_space<semaphore_mem>>) src(%arg9 : memref<128x128xf32, #tpu.memory_space<vmem>>) dst(%dma_wait3A_56 : memref<128x128xf32, #tpu.memory_space<hbm>>)
      tpu.yield
    }) : () -> ()
    return
  }
}

module attributes {stable_mosaic.version = 14 : i64} {
  func.func @_mm_body(%arg0: i32, %arg1: memref<512x128xf32, #tpu.memory_space<vmem>>, %arg2: memref<128x128xf32, #tpu.memory_space<vmem>>, %arg3: memref<2x512x128xf32, #tpu.memory_space<vmem>>, %arg4: memref<512x128xf32, #tpu.memory_space<vmem>>) attributes {dimension_semantics = [#tpu.dimension_semantics<arbitrary>], iteration_bounds = array<i64: 20>, scalar_prefetch = 0 : i64, scratch_operands = 0 : i64, tpu.core_type = #tpu.core_type<tc>, window_params = [{transform_indices = @transform_0, window_bounds = array<i64: 512, 128>}, {pipeline_mode = #tpu.pipeline_mode<synchronous>, transform_indices = @transform_1, window_bounds = array<i64: 128, 128>}, {transform_indices = @transform_2, window_bounds = array<i64: 2, 512, 128>}, {transform_indices = @transform_3, window_bounds = array<i64: 512, 128>}]} {
    %get3A = arith.constant 0 : index
    %get3A_0 = arith.constant 0 : index
    %get3A_1 = arith.constant 0 : index
    %get3A_2 = vector.load %arg3[%get3A, %get3A_0, %get3A_1] : memref<2x512x128xf32, #tpu.memory_space<vmem>>, vector<1x512x1xf32>
    %get3A_3 = vector.shape_cast %get3A_2 : vector<1x512x1xf32> to vector<512x1xf32>
    %get3A_4 = arith.constant 1 : index
    %get3A_5 = arith.constant 0 : index
    %get3A_6 = arith.constant 0 : index
    %get3A_7 = vector.load %arg3[%get3A_4, %get3A_5, %get3A_6] : memref<2x512x128xf32, #tpu.memory_space<vmem>>, vector<1x512x1xf32>
    %get3A_8 = vector.shape_cast %get3A_7 : vector<1x512x1xf32> to vector<512x1xf32>
    %add3A = arith.addf %get3A_3, %get3A_8 : vector<512x1xf32>
    %add3A_9 = arith.constant 1.000000e+00 : f32
    %add3A_10 = vector.broadcast %add3A_9 : f32 to vector<512x1xf32>
    %add3A_11 = arith.addf %add3A, %add3A_10 : vector<512x1xf32>
    %rsqrt3A = math.rsqrt %add3A_11 : vector<512x1xf32>
    %get3A_12 = arith.constant 0 : index
    %get3A_13 = arith.constant 0 : index
    %get3A_14 = vector.load %arg1[%get3A_12, %get3A_13] : memref<512x128xf32, #tpu.memory_space<vmem>>, vector<512x128xf32>
    %get3A_15 = arith.constant 0 : index
    %get3A_16 = arith.constant 0 : index
    %get3A_17 = vector.load %arg2[%get3A_15, %get3A_16] : memref<128x128xf32, #tpu.memory_space<vmem>>, vector<128x128xf32>
    %dot_general3A = arith.constant dense<0.000000e+00> : vector<512x128xf32>
    %dot_general3A_18 = tpu.matmul %get3A_14, %get3A_17, %dot_general3A {dimension_numbers = #tpu.dot_dimension_numbers<[1], [0], [0], [1], [0, 0, 1, 1], [], []>, transpose_lhs_hint = false} : vector<512x128xf32>, vector<128x128xf32>, vector<512x128xf32> -> vector<512x128xf32>
    %mul3A = vector.broadcast %rsqrt3A : vector<512x1xf32> to vector<512x128xf32>
    %mul3A_19 = arith.mulf %dot_general3A_18, %mul3A : vector<512x128xf32>
    %swap3A = arith.constant 0 : index
    %swap3A_20 = arith.constant 0 : index
    %swap3A_21 = vector.load %arg4[%swap3A, %swap3A_20] : memref<512x128xf32, #tpu.memory_space<vmem>>, vector<512x128xf32>
    tpu.vector_store %arg4[%swap3A, %swap3A_20], %mul3A_19 {strides = array<i32>} : memref<512x128xf32, #tpu.memory_space<vmem>>, vector<512x128xf32>,
    return
  }
  func.func @transform_0(%arg0: i32) -> (i32, i32) {
    %c0_i32 = arith.constant 0 : i32
    %c0_i32_0 = arith.constant 0 : i32
    return %arg0, %c0_i32 : i32, i32
  }
  func.func @transform_1(%arg0: i32) -> (i32, i32) {
    %c0_i32 = arith.constant 0 : i32
    %c0_i32_0 = arith.constant 0 : i32
    %c0_i32_1 = arith.constant 0 : i32
    return %c0_i32, %c0_i32_0 : i32, i32
  }
  func.func @transform_2(%arg0: i32) -> (i32, i32, i32) {
    %c0_i32 = arith.constant 0 : i32
    %c0_i32_0 = arith.constant 0 : i32
    %c0_i32_1 = arith.constant 0 : i32
    return %c0_i32, %arg0, %c0_i32_0 : i32, i32, i32
  }
  func.func @transform_3(%arg0: i32) -> (i32, i32) {
    %c0_i32 = arith.constant 0 : i32
    %c0_i32_0 = arith.constant 0 : i32
    return %arg0, %c0_i32 : i32, i32
  }
}

module attributes {stable_mosaic.version = 14 : i64} {
  func.func @_fin_body(%arg0: i32, %arg1: memref<2x512x128xf32, #tpu.memory_space<vmem>>, %arg2: memref<512x128xf32, #tpu.memory_space<vmem>>, %arg3: memref<2x512x128xf32, #tpu.memory_space<vmem>>, %arg4: memref<1x128xf32, #tpu.memory_space<vmem>>, %arg5: memref<512x128xf32, #tpu.memory_space<vmem>>) attributes {dimension_semantics = [#tpu.dimension_semantics<arbitrary>], iteration_bounds = array<i64: 20>, scalar_prefetch = 0 : i64, scratch_operands = 0 : i64, tpu.core_type = #tpu.core_type<tc>, window_params = [{transform_indices = @transform_0, window_bounds = array<i64: 2, 512, 128>}, {transform_indices = @transform_1, window_bounds = array<i64: 512, 128>}, {transform_indices = @transform_2, window_bounds = array<i64: 2, 512, 128>}, {pipeline_mode = #tpu.pipeline_mode<synchronous>, transform_indices = @transform_3, window_bounds = array<i64: 1, 128>}, {transform_indices = @transform_4, window_bounds = array<i64: 512, 128>}]} {
    %get3A = arith.constant 0 : index
    %get3A_0 = arith.constant 0 : index
    %get3A_1 = arith.constant 0 : index
    %get3A_2 = vector.load %arg3[%get3A, %get3A_0, %get3A_1] : memref<2x512x128xf32, #tpu.memory_space<vmem>>, vector<1x512x1xf32>
    %get3A_3 = vector.shape_cast %get3A_2 : vector<1x512x1xf32> to vector<512x1xf32>
    %get3A_4 = arith.constant 1 : index
    %get3A_5 = arith.constant 0 : index
    %get3A_6 = arith.constant 0 : index
    %get3A_7 = vector.load %arg3[%get3A_4, %get3A_5, %get3A_6] : memref<2x512x128xf32, #tpu.memory_space<vmem>>, vector<1x512x1xf32>
    %get3A_8 = vector.shape_cast %get3A_7 : vector<1x512x1xf32> to vector<512x1xf32>
    %add3A = arith.addf %get3A_3, %get3A_8 : vector<512x1xf32>
    %add3A_9 = arith.constant 1.000000e+00 : f32
    %add3A_10 = vector.broadcast %add3A_9 : f32 to vector<512x1xf32>
    %add3A_11 = arith.addf %add3A, %add3A_10 : vector<512x1xf32>
    %rsqrt3A = math.rsqrt %add3A_11 : vector<512x1xf32>
    %get3A_12 = arith.constant 0 : index
    %get3A_13 = arith.constant 0 : index
    %get3A_14 = arith.constant 0 : index
    %get3A_15 = vector.load %arg1[%get3A_12, %get3A_13, %get3A_14] : memref<2x512x128xf32, #tpu.memory_space<vmem>>, vector<1x512x128xf32>
    %get3A_16 = vector.shape_cast %get3A_15 : vector<1x512x128xf32> to vector<512x128xf32>
    %get3A_17 = arith.constant 1 : index
    %get3A_18 = arith.constant 0 : index
    %get3A_19 = arith.constant 0 : index
    %get3A_20 = vector.load %arg1[%get3A_17, %get3A_18, %get3A_19] : memref<2x512x128xf32, #tpu.memory_space<vmem>>, vector<1x512x128xf32>
    %get3A_21 = vector.shape_cast %get3A_20 : vector<1x512x128xf32> to vector<512x128xf32>
    %add3A_22 = arith.addf %get3A_16, %get3A_21 : vector<512x128xf32>
    %get3A_23 = arith.constant 0 : index
    %get3A_24 = arith.constant 0 : index
    %get3A_25 = vector.load %arg2[%get3A_23, %get3A_24] : memref<512x128xf32, #tpu.memory_space<vmem>>, vector<512x128xf32>
    %add3A_26 = arith.addf %add3A_22, %get3A_25 : vector<512x128xf32>
    %mul3A = vector.broadcast %rsqrt3A : vector<512x1xf32> to vector<512x128xf32>
    %mul3A_27 = arith.mulf %mul3A, %add3A_26 : vector<512x128xf32>
    %get3A_28 = arith.constant 0 : index
    %get3A_29 = arith.constant 0 : index
    %get3A_30 = vector.load %arg4[%get3A_28, %get3A_29] : memref<1x128xf32, #tpu.memory_space<vmem>>, vector<1x128xf32>
    %add3A_31 = vector.broadcast %get3A_30 : vector<1x128xf32> to vector<512x128xf32>
    %add3A_32 = arith.addf %mul3A_27, %add3A_31 : vector<512x128xf32>
    %swap3A = arith.constant 0 : index
    %swap3A_33 = arith.constant 0 : index
    %swap3A_34 = vector.load %arg5[%swap3A, %swap3A_33] : memref<512x128xf32, #tpu.memory_space<vmem>>, vector<512x128xf32>
    tpu.vector_store %arg5[%swap3A, %swap3A_33], %add3A_32 {strides = array<i32>} : memref<512x128xf32, #tpu.memory_space<vmem>>, vector<512x128xf32>,
    return
  }
  func.func @transform_0(%arg0: i32) -> (i32, i32, i32) {
    %c0_i32 = arith.constant 0 : i32
    %c0_i32_0 = arith.constant 0 : i32
    %c0_i32_1 = arith.constant 0 : i32
    return %c0_i32, %arg0, %c0_i32_0 : i32, i32, i32
  }
  func.func @transform_1(%arg0: i32) -> (i32, i32) {
    %c0_i32 = arith.constant 0 : i32
    %c0_i32_0 = arith.constant 0 : i32
    return %arg0, %c0_i32 : i32, i32
  }
  func.func @transform_2(%arg0: i32) -> (i32, i32, i32) {
    %c0_i32 = arith.constant 0 : i32
    %c0_i32_0 = arith.constant 0 : i32
    %c0_i32_1 = arith.constant 0 : i32
    return %c0_i32, %arg0, %c0_i32_0 : i32, i32, i32
  }
  func.func @transform_3(%arg0: i32) -> (i32, i32) {
    %c0_i32 = arith.constant 0 : i32
    %c0_i32_0 = arith.constant 0 : i32
    %c0_i32_1 = arith.constant 0 : i32
    return %c0_i32, %c0_i32_0 : i32, i32
  }
  func.func @transform_4(%arg0: i32) -> (i32, i32) {
    %c0_i32 = arith.constant 0 : i32
    %c0_i32_0 = arith.constant 0 : i32
    return %arg0, %c0_i32 : i32, i32
  }
}

</mosaic_0001>

<sc_bundles>
// kernel: kernel.6.cloned.1.call-start
scs
__scs_entry_jumppad:
0x0: {  	(pc) =	sbr.rel $0x88, $3  }
0x1: {  	(tag) =	ssettag $0x0;
	lr =	simm.s32 $0x1  }
0x2: {  	[smem:$0x3F9D] =	sst lr;
	_ =	strace $0xD0000000  }
0x3: {  	_ = 	snop  }
0x4: {  	_ = 	snop  }
0x5: {  	_ = 	snop  }
0x6: {  	_ = 	snop  }
0x7: {  	_ = 	snop  }
__scs_overlays_trampoline_lowered:
0x8: {  	[smem:$0x3FAC] =	sst s0  }
0x9: {  	[smem:$0x3FAD] =	sst s1  }
0xa: {  	[smem:$0x3FAE] =	sst s2  }
0xb: {  	[smem:$0x3FAF] =	sst s3  }
0xc: {  	[smem:$0x3FB0] =	sst s4  }
0xd: {  	[smem:$0x3FB1] =	sst s5  }
0xe: {  	[smem:$0x3FB2] =	sst s6  }
0xf: {  	[smem:$0x3FB3] =	sst s7  }
0x10: {  	[smem:$0x3FB4] =	sst s8  }
0x11: {  	[smem:$0x3FB5] =	sst s9;
	s0 =	simm.s32 @!p0 $0x0  }
0x12: {  	s1 =	sld [smem:$0x3F9B];
	s0 =	simm.s32 @p0 $0x1  }
0x13: {  	[smem:$0x3FB6] =	sst s0;
	s0 =	simm.s32 @!p1 $0x0  }
0x14: {  	s2 =	sld [smem:$0x3F9A];
	s0 =	simm.s32 @p1 $0x1  }
0x15: {  	[smem:$0x3FB7] =	sst s0;
	s0 =	simm.s32 @!p2 $0x0  }
0x16: {  	s3 =	sld [smem:$0x3FDB];
	s0 =	simm.s32 @p2 $0x1  }
0x17: {  	s4 =	simm.s32 $0x1BF5;
	[smem:$0x3FB9] =	sst s0  }
0x18: {  	s0 =	sld [smem:$0x3F9C];
	_ =	swait.ge [sflag:s4], $0x0  }
0x19: {  	s7 =	sld [smem:$0x3F9D]  }
0x1a: {  	s8 =	sadd.s32 $0xFFFFE003, lr  }
0x1b: {  	s9 =	sadd.s32 $0xFFFFFEF7, lr;
	s5 =	simm.s32 $0xFFFFFFFF;
	p2 =	slt.u32 s8, $0xFFFFF086  }
0x1c: {  	p1 =	slt.u32 s9, $0xF7A;
	s5 =	simm.s32 @!p2 $0x0  }
0x1d: {  	s5 =	simm.s32 @p1 $0x1;
	p0 =	seq.s32 s7, s2  }
0x1e: {  	s7 =	smul.u32 @!p0 $0xF7A, s2;
	p2 =	seq.s32 @!p0 s5, $0x0  }
0x1f: {  	s9 =	smul.u32 $0xF7A, s1;
	s8 =	simm.s32 @!p0 $0x1BF5;
	p2 =	por !p2, p0  }
0x20: {  	[sflag:s8] =	ssyncset.s32 @!p0 $0xFFFFF086;
	s6 =	sadd.s32 @!p0 s3, s7;
	s7 =	simm.s32 @!p0 $0x108  }
0x21: {  	s3 =	sadd.s32 s3, s9;
	s6 =	sadd.s32 @!p0 $0x88, s6;
	s7 =	simm.s32 @p2 $0x1082  }
0x22: {  	[simem:s7], [sflag:s8] =	dma.local @!p0 [hbm:s6], $0xF7A  }
0x23: {  	s9 =	sor.u32 $0xD0000000, s2;
	s6 =	simm.s32 $0x108;
	_ =	swait.ge @!p0 [sflag:s8], $0x0  }
0x24: {  	s3 =	sadd.s32 $0x88, s3;
	s6 =	simm.s32 @!p1 $0x1082;
	[sflag:s4] =	ssyncset.s32 $0xFFFFF086  }
0x25: {  	[simem:s6], [sflag:s4] =	dma.local [hbm:s3], $0xF7A  }
0x26: {  	[smem:$0x3F9D] =	sst s1;
	(tag) =	ssettag s2;
	_ =	strace s9  }
0x27: {  	s1 =	sld [smem:$0x3FAD]  }
0x28: {  	s2 =	sld [smem:$0x3FAE]  }
0x29: {  	s4 =	sld [smem:$0x3FB0]  }
0x2a: {  	p0 =	seq.s32 s5, $0x0;
	s5 =	sld [smem:$0x3FB1]  }
0x2b: {  	s6 =	sld [smem:$0x3FB2]  }
0x2c: {  	s7 =	sld [smem:$0x3FB3]  }
0x2d: {  	s3 =	simm.s32 $0x108;
	s8 =	sld [smem:$0x3FB4]  }
0x2e: {  	s3 =	simm.s32 @!p0 $0x1082;
	s9 =	sld [smem:$0x3FB5]  }
0x2f: {  	lr =	sadd.s32 s0, s3;
	s0 =	sld [smem:$0x3FAC]  }
0x30: {  	s3 =	sld [smem:$0x3FAF]  }
0x31: {  	[smem:$0x3FB8] =	sst s10  }
0x32: {  	s10 =	sld [smem:$0x3FB6];
	_ =	sdelay $0x3  }
0x33: {  	p0 =	seq.s32 s10, $0x1;
	s10 =	sld [smem:$0x3FB8];
	_ =	sdelay $0x3  }
0x34: {  	[smem:$0x3FB8] =	sst s10  }
0x35: {  	s10 =	sld [smem:$0x3FB7];
	_ =	sdelay $0x3  }
0x36: {  	p1 =	seq.s32 s10, $0x1;
	s10 =	sld [smem:$0x3FB8];
	_ =	sdelay $0x3  }
0x37: {  	[smem:$0x3FB8] =	sst s10  }
0x38: {  	s10 =	sld [smem:$0x3FB9]  }
0x39: {  	_ = 	snop;
	(pc) =	sbr.ind lr, $3  }
0x3a: {  	_ = 	snop  }
0x3b: {  	_ = 	snop  }
0x3c: {  	p2 =	seq.s32 s10, $0x1;
	s10 =	sld [smem:$0x3FB8]  }
0x3d: {  	_ =	shalt  }
0x3e: {  	_ =	shalt  }
0x3f: {  	_ =	shalt  }
0x40: {  	_ =	shalt  }
0x41: {  	_ =	shalt  }
0x42: {  	_ =	shalt  }
0x43: {  	_ =	shalt  }
0x44: {  	_ =	shalt  }
0x45: {  	_ =	shalt  }
0x46: {  	_ =	shalt  }
0x47: {  	_ =	shalt  }
0x48: {  	_ =	shalt  }
0x49: {  	_ =	shalt  }
0x4a: {  	_ =	shalt  }
0x4b: {  	_ =	shalt  }
0x4c: {  	_ =	shalt  }
0x4d: {  	_ =	shalt  }
0x4e: {  	_ =	shalt  }
0x4f: {  	_ =	shalt  }
0x50: {  	_ =	shalt  }
0x51: {  	_ =	shalt  }
0x52: {  	_ =	shalt  }
0x53: {  	_ =	shalt  }
0x54: {  	_ =	shalt  }
0x55: {  	_ =	shalt  }
0x56: {  	_ =	shalt  }
0x57: {  	_ =	shalt  }
0x58: {  	_ =	shalt  }
0x59: {  	_ =	shalt  }
0x5a: {  	_ =	shalt  }
0x5b: {  	_ =	shalt  }
0x5c: {  	_ =	shalt  }
0x5d: {  	_ =	shalt  }
0x5e: {  	_ =	shalt  }
0x5f: {  	_ =	shalt  }
0x60: {  	_ =	shalt  }
0x61: {  	_ =	shalt  }
0x62: {  	_ =	shalt  }
0x63: {  	_ =	shalt  }
0x64: {  	_ =	shalt  }
0x65: {  	_ =	shalt  }
0x66: {  	_ =	shalt  }
0x67: {  	_ =	shalt  }
0x68: {  	_ =	shalt  }
0x69: {  	_ =	shalt  }
0x6a: {  	_ =	shalt  }
0x6b: {  	_ =	shalt  }
0x6c: {  	_ =	shalt  }
0x6d: {  	_ =	shalt  }
0x6e: {  	_ =	shalt  }
0x6f: {  	_ =	shalt  }
0x70: {  	_ =	shalt  }
0x71: {  	_ =	shalt  }
0x72: {  	_ =	shalt  }
0x73: {  	_ =	shalt  }
0x74: {  	_ =	shalt  }
0x75: {  	_ =	shalt  }
0x76: {  	_ =	shalt  }
0x77: {  	_ =	shalt  }
0x78: {  	_ =	shalt  }
0x79: {  	_ =	shalt  }
0x7a: {  	_ =	shalt  }
0x7b: {  	_ =	shalt  }
0x7c: {  	_ =	shalt  }
0x7d: {  	_ =	shalt  }
0x7e: {  	_ =	shalt  }
0x7f: {  	_ =	shalt  }
0x80: {  	_ =	shalt  }
0x81: {  	_ =	shalt  }
0x82: {  	_ =	shalt  }
0x83: {  	_ =	shalt  }
0x84: {  	_ =	shalt  }
0x85: {  	_ =	shalt  }
0x86: {  	_ =	shalt  }
0x87: {  	_ =	shalt  }
.Lfunc_end0:
.L_simem_size_0:
called_computation_lowered:
.L_overlay_start_0:
0x88: {  	s2 =	sld [smem:$0x3FD9]  }
0x89: {  	s3 =	sld [smem:$0x3FFE];
	_ =	sdelay $0x1  }
0x8a: {  	s1 =	srdreg.scid  }
0x8b: {  	s0 =	sand.u32 $0x1, s1  }
0x8c: {  	s17 =	sshll.u32 s0, $0xA;
	s2 =	sadd.s32 s3, s2  }
0x8d: {  	s2 =	sadd.s32 s2, s17  }
0x8e: {  	[smem:$0x3FC4] =	sst s2  }
0x8f: {  	_ = 	snop  }
0x90: {  	s2 =	sld [smem:$0x3FD0];
	(tm) =	ssettm $0x1  }
0x91: {  	s18 =	sld [smem:$0x3FFB];
	_ =	sdelay $0x3  }
0x92: {  	_ =	strace s18  }
0x93: {  	s3 =	sld [smem:$0x3FFC];
	_ =	sdelay $0x3  }
0x94: {  	_ =	strace s3  }
0x95: {  	s3 =	sld [smem:$0x3FFD];
	_ =	sdelay $0x3  }
0x96: {  	_ =	strace s3  }
0x97: {  	_ =	strace $0x8FFFFFFF  }
0x98: {  	s19 =	sld [smem:$0x3FDB];
	_ =	sdelay $0x1  }
0x99: {  	s4 =	simm.s32 $_scs_section_size  }
0x9a: {  	s5 =	simm.s32 $_size__tile_overlayer_lowered;
	s6 =	simm.s32 $_tile_overlayer_lowered  }
0x9b: {  	s22 =	simm.s32 $0x1BFF;
	s21 =	sshll.u32 s6, $0x1;
	s3 =	sadd.s32 s4, s19  }
0x9c: {  	s7 =	simm.s32 $0x0;
	s20 =	sshll.u32 s5, $0x1;
	s5 =	sadd.s32 s21, s3  }
0x9d: {  	[timem:s7], [sflag:s22] =	dma.local [hbm:s5], s20  }
0x9e: {  	_ =	swait.ge [sflag:s22], s20  }
0x9f: {  	s4 =	ssub.s32 $0x0, s20;
	[sflag:s22] =	ssyncset.done $0x0  }
0xa0: {  	[sflag:s22] =	ssyncadd.s32 s4;
	_ =	sdelay $0x1  }
0xa1: {  	s23 =	simm.s32 $0x1B8B  }
0xa2: {  	_ =	swait.ge [sflag:s23], $0x1  }
0xa3: {  	[sflag:s23] =	ssyncset.done $0x0  }
0xa4: {  	s25 =	simm.s32 $0x1B8E;
	s24 =	sld [smem:$0x3FFE];
	[sflag:s23] =	ssyncadd.s32 $0xFFFFFFFF  }
0xa5: {  	s26 =	simm.s32 $execute0_lowered;
	[smem:$0x3FD2] =	sst s25  }
0xa6: {  	s5 =	sshll.u32 s26, $0x1;
	_ =	strace $0x80000046;
	[dreg:$0x1] =	wrdreg $0xFFFFFFFF  }
0xa7: {  	s28 =	simm.s32 $_size_execute0_lowered;
	s3 =	sadd.s32 s3, s5;
	[dreg:$0x0] =	wrdreg $0x0  }
0xa8: {  	s5 =	sshll.u32 s28, $0x1;
	[dreg:$0x2] =	wrdreg s3  }
0xa9: {  	[dreg:$0x3] =	wrdreg s5  }
0xaa: {  	[dreg:$0x4] =	wrdreg $0xC0  }
0xab: {  	_ =	task [dreg:s7], $0x5FFFF  }
0xac: {  	[dreg:$0x1] =	wrdreg $0xFFFFFFFF  }
0xad: {  	[dreg:$0x0] =	wrdreg $0x60  }
0xae: {  	[dreg:$0x2] =	wrdreg s2  }
0xaf: {  	[dreg:$0x3] =	wrdreg s24  }
0xb0: {  	[dreg:$0x4] =	wrdreg $0xA8000  }
0xb1: {  	[dreg:$0x5] =	wrdreg $0x9  }
0xb2: {  	_ =	task.clear_ibuf [dreg:s7], $0x6FFFF;
	_ =	strace $0x90000046  }
0xb3: {  	s29 =	simm.s32 $0x9;
	_ =	strace $0x80000048  }
0xb4: {  	_ =	swait.ge [sflag:s29], $0x1  }
0xb5: {  	[sflag:s29] =	ssyncadd.s32 $0xFFFFFFFF  }
0xb6: {  	_ =	strace $0x90000048  }
0xb7: {  	_ =	sfence  }
0xb8: {  	s30 =	sld [smem:$0x0];
	_ =	sdelay $0x2  }
0xb9: {  	s31 =	sshll.u32 s1, $0xD;
	s1 =	sshrl.u32 s1, $0x2  }
0xba: {  	s3 =	sand.u32 $0x4000, s31;
	s1 =	sadd.s32 s1, s30  }
0xbb: {  	s0 =	sor.u32 s3, s0;
	s1 =	sshll.u32 s1, $0x11  }
0xbc: {  	s0 =	sor.u32 s1, s0  }
0xbd: {  	s0 =	sadd.s32 $0x8F2B, s0  }
0xbe: {  	[sflag:s0] =	ssyncadd.remote.s32 $0x1  }
0xbf: {  	_ =	sfence.sel $0xFFFF  }
0xc0: {  	[dreg:$0x0] =	wrdreg $0xFFFFFFFF;
	(pc) =	sbr.abs _section_cstart, $3  }
0xc1: {  	[dreg:$0x1] =	wrdreg $0xFFFFFFFF  }
0xc2: {  	_ =	task.clear_ibuf [dreg:s7], $0x2FFFF;
	_ =	strace $0x9FFFFFFF  }
0xc3: {  	(tm) =	ssettm $0x7FFFFFFF  }
tec
execute0_lowered:
.L_overlay_start_1:
0x0: {  	(tag) =	ssettag $0x1  }
0x1: {  	s6 =	rddreg [dreg:$0x0]  }
0x2: {  	s7 =	rddreg [dreg:$0x1]  }
0x3: {  	s1 =	rddreg [dreg:$0x2]  }
0x4: {  	s0 =	rddreg [dreg:$0x3];
	s3 =	simm.s32 $0x0;
	s5 =	srdreg.scid  }
0x5: {  	s2 =	stileid.u32;
	s20 =	simm.s32 $0x6800;
	s21 =	simm.s32 $0x80  }
0x6: {  	s22 =	simm.s32 $0x0;
	[smem:$0x7FF] =	sst s3;
	s4 =	sadd.s32 $0x1C00, s7  }
0x7: {  	s8 =	sand.u32 $0x1, s5;
	s9 =	sshll.u32 s2, $0x1;
	s10 =	smul.u32 $0x50000, s2  }
0x8: {  	s5 =	sadd.s32 $0x1400, s7;
	s16 =	sadd.s32 $0x2400, s7;
	s12 =	smul.u32 $0x14000, s2  }
0x9: {  	s9 =	sor.u32 s8, s9;
	s28 =	ssub.s32 $0x2, s8;
	s15 =	smul.u32 $0x140000, s8  }
0xa: {  	_ =	strace $0x80000047;
	s9 =	smul.u32 $0x500, s9;
	s11 =	sshrl.u32 s28, $0x1  }
0xb: {  	s10 =	sshrl.u32 s10, $0x2;
	s29 =	sadd.s32 $0x4000, s12;
	s14 =	sadd.s32 $0x8000, s12  }
0xc: {  	s18 =	sadd.s32 $0xC000, s12;
	s19 =	sadd.s32 $0x10000, s12;
	s17 =	ssub.s32 s28, s11  }
0xd: {  	s7 =	sadd.s32 s10, s1;
	s8 =	sadd.s32 s29, s1;
	s10 =	sadd.s32 s18, s1  }
0xe: {  	s13 =	sadd.s32 s12, s15;
	s11 =	sadd.s32 s15, s29;
	s18 =	sadd.s32 s15, s18  }
0xf: {  	s6 =	sadd.s32 s6, s9;
	s9 =	sadd.s32 s14, s1;
	s30 =	sshrl.u32 s13, $0x3  }
0x10: {  	s31 =	sshrl.u32 s11, $0x3;
	s11 =	sadd.s32 s19, s1;
	s14 =	sadd.s32 s15, s14  }
0x11: {  	s15 =	sadd.s32 s15, s19;
	s18 =	sshrl.u32 s18, $0x3;
	s17 =	smax.u32 s17, $0x1  }
0x12: {  	s12 =	sadd.s32 s16, s30;
	s13 =	sadd.s32 s16, s31;
	s14 =	sshrl.u32 s14, $0x3  }
0x13: {  	s19 =	sshrl.u32 s15, $0x3;
	s15 =	sadd.s32 s16, s18;
	s18 =	simm.s32 $0x1  }
0x14: {  	s14 =	sadd.s32 s16, s14;
	s16 =	sadd.s32 s16, s19;
	s19 =	simm.s32 $0x2800  }
.LBB2_1:
0x15: {  	[tilespmem:s3], [sflag:$0x1] =	stream.linear.gather [hbm4b:s6+s3], $0x2780, $0x38;
	[tilespmem:$0x1E800] =	vst v63  }
0x16: {  	_ =	swait.ge [sflag:s18], $0x2780  }
0x17: {  	[sflag:s18] =	ssyncset.done $0x0  }
0x18: {  	[sflag:s18] =	ssyncadd.s32 $0xFFFFD880  }
0x19: {  	[tilespmem:s19], [sflag:$0x1] =	stream.linear.gather [hbm4b:s4+s3], $0x4000, $0x38;
	[tilespmem:$0x1E800] =	vst v63  }
0x1a: {  	_ =	swait.ge [sflag:s18], $0x4000  }
0x1b: {  	[sflag:s18] =	ssyncset.done $0x0  }
0x1c: {  	[sflag:s18] =	ssyncadd.s32 $0xFFFFC000  }
0x1d: {  	[tilespmem:s20], [sflag:$0x1] =	stream.linear.gather [hbm4b:s5+s3], $0x4000, $0x38;
	[tilespmem:$0x1E800] =	vst v63  }
0x1e: {  	_ =	swait.ge [sflag:s18], $0x4000  }
0x1f: {  	[sflag:s18] =	ssyncset.done $0x0  }
0x20: {  	[sflag:s18] =	ssyncadd.s32 $0xFFFFC000  }
0x21: {  	[spmem:s7] =	stream.linear.scatter [tilespmem:s20], [sflag:$0x1], $0x4000, $0x38;
	[tilespmem:$0x1E800] =	vst v63  }
0x22: {  	_ =	swait.ge [sflag:s18], $0x4000  }
0x23: {  	[sflag:s18] =	ssyncset.done $0x0  }
0x24: {  	[sflag:s18] =	ssyncadd.s32 $0xFFFFC000  }
0x25: {  	[spmem:s8] =	stream.linear.scatter [tilespmem:s20], [sflag:$0x1], $0x4000, $0x38;
	[tilespmem:$0x1E800] =	vst v63  }
0x26: {  	_ =	swait.ge [sflag:s18], $0x4000  }
0x27: {  	[sflag:s18] =	ssyncset.done $0x0  }
0x28: {  	[sflag:s18] =	ssyncadd.s32 $0xFFFFC000  }
0x29: {  	[spmem:s9] =	stream.linear.scatter [tilespmem:s20], [sflag:$0x1], $0x4000, $0x38;
	[tilespmem:$0x1E800] =	vst v63  }
0x2a: {  	_ =	swait.ge [sflag:s18], $0x4000  }
0x2b: {  	[sflag:s18] =	ssyncset.done $0x0  }
0x2c: {  	[sflag:s18] =	ssyncadd.s32 $0xFFFFC000  }
0x2d: {  	[spmem:s10] =	stream.linear.scatter [tilespmem:s20], [sflag:$0x1], $0x4000, $0x38;
	[tilespmem:$0x1E800] =	vst v63  }
0x2e: {  	_ =	swait.ge [sflag:s18], $0x4000  }
0x2f: {  	[sflag:s18] =	ssyncset.done $0x0  }
0x30: {  	[sflag:s18] =	ssyncadd.s32 $0xFFFFC000  }
0x31: {  	[spmem:s11] =	stream.linear.scatter [tilespmem:s20], [sflag:$0x1], $0x4000, $0x38;
	[tilespmem:$0x1E800] =	vst v63  }
0x32: {  	_ =	swait.ge [sflag:s18], $0x4000  }
0x33: {  	[sflag:s18] =	ssyncset.done $0x0  }
0x34: {  	[sflag:s18] =	ssyncadd.s32 $0xFFFFC000  }
0x35: {  	s23 =	simm.s32 $0x0;
	[bflag:$0x0] =	sbarrier.arrive $0xFFFF  }
0x36: {  	[spmem:s1] =	stream.indirect.scatter.add.f32 [tilespmem:s19], [sflag:$0x1], $0x80, s23, s21, $0xb8;
	[tilespmem:$0x1E800] =	vst v63  }
0x37: {  	_ =	swait.ge [sflag:s18], $0x4000  }
0x38: {  	s23 =	simm.s32 $0x200;
	[sflag:s18] =	ssyncset.done $0x0  }
.LBB2_2:
0x39: {  	s24 =	sshra.s32 s23, $0x2;
	[sflag:s18] =	ssyncadd.s32 $0xFFFFC000;
	p0 =	sne.s32 s23, $0x9C00  }
0x3a: {  	[spmem:s1] =	stream.indirect.scatter.add.f32 [tilespmem:s19], [sflag:$0x1], $0x80, s24, s21, $0xb8;
	[tilespmem:$0x1E800] =	vst v63  }
.Ltmp0:
0x3b: {  	_ = 	snop;
	(pc) =	sbr.rel @p0 .LBB2_2-.Ltmp0, $4  }
0x3c: {  	_ = 	snop  }
0x3d: {  	s23 =	sadd.s32 $0x200, s23  }
0x3e: {  	_ =	swait.ge [sflag:s18], $0x4000  }
0x3f: {  	[sflag:s18] =	ssyncset.done $0x0  }
0x40: {  	[sflag:s18] =	ssyncadd.s32 $0xFFFFC000  }
0x41: {  	[bflag:$0x0] =	sbarrier.arrive $0xFFFF  }
0x42: {  	[tilespmem:s20], [sflag:$0x1] =	stream.linear.gather [spmem:s7], $0x4000, $0x38;
	[tilespmem:$0x1E800] =	vst v63  }
0x43: {  	_ =	swait.ge [sflag:s18], $0x4000  }
0x44: {  	[sflag:s18] =	ssyncset.done $0x0  }
0x45: {  	[sflag:s18] =	ssyncadd.s32 $0xFFFFC000  }
0x46: {  	[hbm4b:s12+s3] =	stream.linear.scatter [tilespmem:s20], [sflag:$0x1], $0x4000, $0x38;
	[tilespmem:$0x1E800] =	vst v63  }
0x47: {  	_ =	swait.ge [sflag:s18], $0x4000  }
0x48: {  	[sflag:s18] =	ssyncset.done $0x0  }
0x49: {  	[sflag:s18] =	ssyncadd.s32 $0xFFFFC000  }
0x4a: {  	[tilespmem:s20], [sflag:$0x1] =	stream.linear.gather [spmem:s8], $0x4000, $0x38;
	[tilespmem:$0x1E800] =	vst v63  }
0x4b: {  	_ =	swait.ge [sflag:s18], $0x4000  }
0x4c: {  	[sflag:s18] =	ssyncset.done $0x0  }
0x4d: {  	[sflag:s18] =	ssyncadd.s32 $0xFFFFC000  }
0x4e: {  	[hbm4b:s13+s3] =	stream.linear.scatter [tilespmem:s20], [sflag:$0x1], $0x4000, $0x38;
	[tilespmem:$0x1E800] =	vst v63  }
0x4f: {  	_ =	swait.ge [sflag:s18], $0x4000  }
0x50: {  	[sflag:s18] =	ssyncset.done $0x0  }
0x51: {  	[sflag:s18] =	ssyncadd.s32 $0xFFFFC000  }
0x52: {  	[tilespmem:s20], [sflag:$0x1] =	stream.linear.gather [spmem:s9], $0x4000, $0x38;
	[tilespmem:$0x1E800] =	vst v63  }
0x53: {  	_ =	swait.ge [sflag:s18], $0x4000  }
0x54: {  	[sflag:s18] =	ssyncset.done $0x0  }
0x55: {  	[sflag:s18] =	ssyncadd.s32 $0xFFFFC000  }
0x56: {  	[hbm4b:s14+s3] =	stream.linear.scatter [tilespmem:s20], [sflag:$0x1], $0x4000, $0x38;
	[tilespmem:$0x1E800] =	vst v63  }
0x57: {  	_ =	swait.ge [sflag:s18], $0x4000  }
0x58: {  	[sflag:s18] =	ssyncset.done $0x0  }
0x59: {  	[sflag:s18] =	ssyncadd.s32 $0xFFFFC000  }
0x5a: {  	[tilespmem:s20], [sflag:$0x1] =	stream.linear.gather [spmem:s10], $0x4000, $0x38;
	[tilespmem:$0x1E800] =	vst v63  }
0x5b: {  	_ =	swait.ge [sflag:s18], $0x4000  }
0x5c: {  	[sflag:s18] =	ssyncset.done $0x0  }
0x5d: {  	[sflag:s18] =	ssyncadd.s32 $0xFFFFC000  }
0x5e: {  	[hbm4b:s15+s3] =	stream.linear.scatter [tilespmem:s20], [sflag:$0x1], $0x4000, $0x38;
	[tilespmem:$0x1E800] =	vst v63  }
0x5f: {  	_ =	swait.ge [sflag:s18], $0x4000  }
0x60: {  	[sflag:s18] =	ssyncset.done $0x0  }
0x61: {  	[sflag:s18] =	ssyncadd.s32 $0xFFFFC000  }
0x62: {  	[tilespmem:s20], [sflag:$0x1] =	stream.linear.gather [spmem:s11], $0x4000, $0x38;
	[tilespmem:$0x1E800] =	vst v63  }
0x63: {  	s22 =	sadd.s32 $0x1, s22;
	_ =	swait.ge [sflag:s18], $0x4000  }
0x64: {  	p0 =	sne.s32 s22, s17;
	[sflag:s18] =	ssyncset.done $0x0  }
.Ltmp1:
0x65: {  	[sflag:s18] =	ssyncadd.s32 $0xFFFFC000;
	(pc) =	sbr.rel @p0 .LBB2_1-.Ltmp1, $4  }
0x66: {  	[hbm4b:s16+s3] =	stream.linear.scatter [tilespmem:s20], [sflag:$0x1], $0x4000, $0x38;
	[tilespmem:$0x1E800] =	vst v63  }
0x67: {  	_ =	swait.ge [sflag:s18], $0x4000  }
0x68: {  	[sflag:s18] =	ssyncset.done $0x0  }
0x69: {  	[sflag:s18] =	ssyncadd.s32 $0xFFFFC000  }
0x6a: {  	_ =	sfence.sel $0x180000  }
0x6b: {  	[bflag:$0x0] =	sbarrier.arrive $0xFFFF  }
0x6c: {  	p0 =	sne.s32 s2, $0x0;
	_ =	strace $0x90000047  }
0x6d: {  	s0 =	sadd.s32 @!p0 $0x100000, s0;
	[bflag:$0x2] =	sbarrier.arrive $0xFFFF  }
0x6e: {  	[sflag:s0] =	ssyncadd.tile.s32 @!p0 $0x1;
	_ =	shalt  }
.Lfunc_end2:
_tile_overlayer_lowered:
.L_overlay_start_2:
0x6f: {  	(tag) =	ssettag $0x2  }
0x70: {  	s0 =	rddreg [dreg:$0x0];
	s2 =	stileid.u32  }
0x71: {  	s1 =	rddreg [dreg:$0x1];
	p0 =	sne.s32 s2, $0x0  }
0x72: {  	s3 =	rddreg [dreg:$0x2];
	[bflag:$0x3] =	sbarrier.arrive $0xFFFF;
	s2 =	simm.s32 @!p0 $0x1C01  }
0x73: {  	[timem:s3], [sflag:s2] =	dma.local @!p0 [hbm:s0], s1  }
0x74: {  	s0 =	simm.s32 @!p0 $0x1  }
0x75: {  	_ =	swait.ge @!p0 [sflag:s0], s1  }
0x76: {  	s1 =	ssub.s32 @!p0 $0x0, s1;
	[sflag:s0] =	ssyncset.done @!p0 $0x0  }
0x77: {  	[sflag:s0] =	ssyncadd.s32 @!p0 s1  }
0x78: {  	[bflag:$0x3] =	sbarrier.arrive $0xFFFF  }
0x79: {  	_ =	shalt  }

// kernel: kernel.9.cloned.1.call-start
scs
__scs_entry_jumppad:
0x0: {  	(pc) =	sbr.rel $0x88, $3  }
0x1: {  	(tag) =	ssettag $0x0;
	lr =	simm.s32 $0x1  }
0x2: {  	[smem:$0x3F9D] =	sst lr;
	_ =	strace $0xD0000000  }
0x3: {  	_ = 	snop  }
0x4: {  	_ = 	snop  }
0x5: {  	_ = 	snop  }
0x6: {  	_ = 	snop  }
0x7: {  	_ = 	snop  }
__scs_overlays_trampoline_lowered:
0x8: {  	[smem:$0x3FAC] =	sst s0  }
0x9: {  	[smem:$0x3FAD] =	sst s1  }
0xa: {  	[smem:$0x3FAE] =	sst s2  }
0xb: {  	[smem:$0x3FAF] =	sst s3  }
0xc: {  	[smem:$0x3FB0] =	sst s4  }
0xd: {  	[smem:$0x3FB1] =	sst s5  }
0xe: {  	[smem:$0x3FB2] =	sst s6  }
0xf: {  	[smem:$0x3FB3] =	sst s7  }
0x10: {  	[smem:$0x3FB4] =	sst s8  }
0x11: {  	[smem:$0x3FB5] =	sst s9;
	s0 =	simm.s32 @!p0 $0x0  }
0x12: {  	s1 =	sld [smem:$0x3F9B];
	s0 =	simm.s32 @p0 $0x1  }
0x13: {  	[smem:$0x3FB6] =	sst s0;
	s0 =	simm.s32 @!p1 $0x0  }
0x14: {  	s2 =	sld [smem:$0x3F9A];
	s0 =	simm.s32 @p1 $0x1  }
0x15: {  	[smem:$0x3FB7] =	sst s0;
	s0 =	simm.s32 @!p2 $0x0  }
0x16: {  	s3 =	sld [smem:$0x3FDB];
	s0 =	simm.s32 @p2 $0x1  }
0x17: {  	s4 =	simm.s32 $0x1BF5;
	[smem:$0x3FB9] =	sst s0  }
0x18: {  	s0 =	sld [smem:$0x3F9C];
	_ =	swait.ge [sflag:s4], $0x0  }
0x19: {  	s7 =	sld [smem:$0x3F9D]  }
0x1a: {  	s8 =	sadd.s32 $0xFFFFE003, lr  }
0x1b: {  	s9 =	sadd.s32 $0xFFFFFEF7, lr;
	s5 =	simm.s32 $0xFFFFFFFF;
	p2 =	slt.u32 s8, $0xFFFFF086  }
0x1c: {  	p1 =	slt.u32 s9, $0xF7A;
	s5 =	simm.s32 @!p2 $0x0  }
0x1d: {  	s5 =	simm.s32 @p1 $0x1;
	p0 =	seq.s32 s7, s2  }
0x1e: {  	s7 =	smul.u32 @!p0 $0xF7A, s2;
	p2 =	seq.s32 @!p0 s5, $0x0  }
0x1f: {  	s9 =	smul.u32 $0xF7A, s1;
	s8 =	simm.s32 @!p0 $0x1BF5;
	p2 =	por !p2, p0  }
0x20: {  	[sflag:s8] =	ssyncset.s32 @!p0 $0xFFFFF086;
	s6 =	sadd.s32 @!p0 s3, s7;
	s7 =	simm.s32 @!p0 $0x108  }
0x21: {  	s3 =	sadd.s32 s3, s9;
	s6 =	sadd.s32 @!p0 $0x88, s6;
	s7 =	simm.s32 @p2 $0x1082  }
0x22: {  	[simem:s7], [sflag:s8] =	dma.local @!p0 [hbm:s6], $0xF7A  }
0x23: {  	s9 =	sor.u32 $0xD0000000, s2;
	s6 =	simm.s32 $0x108;
	_ =	swait.ge @!p0 [sflag:s8], $0x0  }
0x24: {  	s3 =	sadd.s32 $0x88, s3;
	s6 =	simm.s32 @!p1 $0x1082;
	[sflag:s4] =	ssyncset.s32 $0xFFFFF086  }
0x25: {  	[simem:s6], [sflag:s4] =	dma.local [hbm:s3], $0xF7A  }
0x26: {  	[smem:$0x3F9D] =	sst s1;
	(tag) =	ssettag s2;
	_ =	strace s9  }
0x27: {  	s1 =	sld [smem:$0x3FAD]  }
0x28: {  	s2 =	sld [smem:$0x3FAE]  }
0x29: {  	s4 =	sld [smem:$0x3FB0]  }
0x2a: {  	p0 =	seq.s32 s5, $0x0;
	s5 =	sld [smem:$0x3FB1]  }
0x2b: {  	s6 =	sld [smem:$0x3FB2]  }
0x2c: {  	s7 =	sld [smem:$0x3FB3]  }
0x2d: {  	s3 =	simm.s32 $0x108;
	s8 =	sld [smem:$0x3FB4]  }
0x2e: {  	s3 =	simm.s32 @!p0 $0x1082;
	s9 =	sld [smem:$0x3FB5]  }
0x2f: {  	lr =	sadd.s32 s0, s3;
	s0 =	sld [smem:$0x3FAC]  }
0x30: {  	s3 =	sld [smem:$0x3FAF]  }
0x31: {  	[smem:$0x3FB8] =	sst s10  }
0x32: {  	s10 =	sld [smem:$0x3FB6];
	_ =	sdelay $0x3  }
0x33: {  	p0 =	seq.s32 s10, $0x1;
	s10 =	sld [smem:$0x3FB8];
	_ =	sdelay $0x3  }
0x34: {  	[smem:$0x3FB8] =	sst s10  }
0x35: {  	s10 =	sld [smem:$0x3FB7];
	_ =	sdelay $0x3  }
0x36: {  	p1 =	seq.s32 s10, $0x1;
	s10 =	sld [smem:$0x3FB8];
	_ =	sdelay $0x3  }
0x37: {  	[smem:$0x3FB8] =	sst s10  }
0x38: {  	s10 =	sld [smem:$0x3FB9]  }
0x39: {  	_ = 	snop;
	(pc) =	sbr.ind lr, $3  }
0x3a: {  	_ = 	snop  }
0x3b: {  	_ = 	snop  }
0x3c: {  	p2 =	seq.s32 s10, $0x1;
	s10 =	sld [smem:$0x3FB8]  }
0x3d: {  	_ =	shalt  }
0x3e: {  	_ =	shalt  }
0x3f: {  	_ =	shalt  }
0x40: {  	_ =	shalt  }
0x41: {  	_ =	shalt  }
0x42: {  	_ =	shalt  }
0x43: {  	_ =	shalt  }
0x44: {  	_ =	shalt  }
0x45: {  	_ =	shalt  }
0x46: {  	_ =	shalt  }
0x47: {  	_ =	shalt  }
0x48: {  	_ =	shalt  }
0x49: {  	_ =	shalt  }
0x4a: {  	_ =	shalt  }
0x4b: {  	_ =	shalt  }
0x4c: {  	_ =	shalt  }
0x4d: {  	_ =	shalt  }
0x4e: {  	_ =	shalt  }
0x4f: {  	_ =	shalt  }
0x50: {  	_ =	shalt  }
0x51: {  	_ =	shalt  }
0x52: {  	_ =	shalt  }
0x53: {  	_ =	shalt  }
0x54: {  	_ =	shalt  }
0x55: {  	_ =	shalt  }
0x56: {  	_ =	shalt  }
0x57: {  	_ =	shalt  }
0x58: {  	_ =	shalt  }
0x59: {  	_ =	shalt  }
0x5a: {  	_ =	shalt  }
0x5b: {  	_ =	shalt  }
0x5c: {  	_ =	shalt  }
0x5d: {  	_ =	shalt  }
0x5e: {  	_ =	shalt  }
0x5f: {  	_ =	shalt  }
0x60: {  	_ =	shalt  }
0x61: {  	_ =	shalt  }
0x62: {  	_ =	shalt  }
0x63: {  	_ =	shalt  }
0x64: {  	_ =	shalt  }
0x65: {  	_ =	shalt  }
0x66: {  	_ =	shalt  }
0x67: {  	_ =	shalt  }
0x68: {  	_ =	shalt  }
0x69: {  	_ =	shalt  }
0x6a: {  	_ =	shalt  }
0x6b: {  	_ =	shalt  }
0x6c: {  	_ =	shalt  }
0x6d: {  	_ =	shalt  }
0x6e: {  	_ =	shalt  }
0x6f: {  	_ =	shalt  }
0x70: {  	_ =	shalt  }
0x71: {  	_ =	shalt  }
0x72: {  	_ =	shalt  }
0x73: {  	_ =	shalt  }
0x74: {  	_ =	shalt  }
0x75: {  	_ =	shalt  }
0x76: {  	_ =	shalt  }
0x77: {  	_ =	shalt  }
0x78: {  	_ =	shalt  }
0x79: {  	_ =	shalt  }
0x7a: {  	_ =	shalt  }
0x7b: {  	_ =	shalt  }
0x7c: {  	_ =	shalt  }
0x7d: {  	_ =	shalt  }
0x7e: {  	_ =	shalt  }
0x7f: {  	_ =	shalt  }
0x80: {  	_ =	shalt  }
0x81: {  	_ =	shalt  }
0x82: {  	_ =	shalt  }
0x83: {  	_ =	shalt  }
0x84: {  	_ =	shalt  }
0x85: {  	_ =	shalt  }
0x86: {  	_ =	shalt  }
0x87: {  	_ =	shalt  }
.Lfunc_end0:
.L_simem_size_0:
called_computation.1_lowered:
.L_overlay_start_0:
0x88: {  	s2 =	sld [smem:$0x3FD9]  }
0x89: {  	s3 =	sld [smem:$0x3FFE];
	_ =	sdelay $0x1  }
0x8a: {  	s1 =	srdreg.scid  }
0x8b: {  	s0 =	sand.u32 $0x1, s1  }
0x8c: {  	s17 =	sshll.u32 s0, $0xA;
	s2 =	sadd.s32 s3, s2  }
0x8d: {  	s2 =	sadd.s32 s2, s17  }
0x8e: {  	[smem:$0x3FC4] =	sst s2  }
0x8f: {  	_ = 	snop  }
0x90: {  	s2 =	sld [smem:$0x3FD0];
	(tm) =	ssettm $0x1  }
0x91: {  	s18 =	sld [smem:$0x3FFB];
	_ =	sdelay $0x3  }
0x92: {  	_ =	strace s18  }
0x93: {  	s3 =	sld [smem:$0x3FFC];
	_ =	sdelay $0x3  }
0x94: {  	_ =	strace s3  }
0x95: {  	s3 =	sld [smem:$0x3FFD];
	_ =	sdelay $0x3  }
0x96: {  	_ =	strace s3  }
0x97: {  	_ =	strace $0x8FFFFFFF  }
0x98: {  	s19 =	sld [smem:$0x3FDB];
	_ =	sdelay $0x1  }
0x99: {  	s4 =	simm.s32 $_scs_section_size  }
0x9a: {  	s5 =	simm.s32 $_size__tile_overlayer_lowered;
	s6 =	simm.s32 $_tile_overlayer_lowered  }
0x9b: {  	s22 =	simm.s32 $0x1BFF;
	s21 =	sshll.u32 s6, $0x1;
	s3 =	sadd.s32 s4, s19  }
0x9c: {  	s7 =	simm.s32 $0x0;
	s20 =	sshll.u32 s5, $0x1;
	s5 =	sadd.s32 s21, s3  }
0x9d: {  	[timem:s7], [sflag:s22] =	dma.local [hbm:s5], s20  }
0x9e: {  	_ =	swait.ge [sflag:s22], s20  }
0x9f: {  	s4 =	ssub.s32 $0x0, s20;
	[sflag:s22] =	ssyncset.done $0x0  }
0xa0: {  	[sflag:s22] =	ssyncadd.s32 s4;
	_ =	sdelay $0x1  }
0xa1: {  	s23 =	simm.s32 $0x1B8B  }
0xa2: {  	_ =	swait.ge [sflag:s23], $0x1  }
0xa3: {  	[sflag:s23] =	ssyncset.done $0x0  }
0xa4: {  	s25 =	simm.s32 $0x1B8E;
	s24 =	sld [smem:$0x3FFE];
	[sflag:s23] =	ssyncadd.s32 $0xFFFFFFFF  }
0xa5: {  	s26 =	simm.s32 $execute0_lowered;
	[smem:$0x3FD2] =	sst s25  }
0xa6: {  	s5 =	sshll.u32 s26, $0x1;
	_ =	strace $0x80000049;
	[dreg:$0x1] =	wrdreg $0xFFFFFFFF  }
0xa7: {  	s28 =	simm.s32 $_size_execute0_lowered;
	s3 =	sadd.s32 s3, s5;
	[dreg:$0x0] =	wrdreg $0x0  }
0xa8: {  	s5 =	sshll.u32 s28, $0x1;
	[dreg:$0x2] =	wrdreg s3  }
0xa9: {  	[dreg:$0x3] =	wrdreg s5  }
0xaa: {  	[dreg:$0x4] =	wrdreg $0xC0  }
0xab: {  	_ =	task [dreg:s7], $0x5FFFF  }
0xac: {  	[dreg:$0x1] =	wrdreg $0xFFFFFFFF  }
0xad: {  	[dreg:$0x0] =	wrdreg $0x60  }
0xae: {  	[dreg:$0x2] =	wrdreg s24  }
0xaf: {  	[dreg:$0x3] =	wrdreg s2  }
0xb0: {  	[dreg:$0x4] =	wrdreg $0x90000  }
0xb1: {  	[dreg:$0x5] =	wrdreg $0x9  }
0xb2: {  	_ =	task.clear_ibuf [dreg:s7], $0x6FFFF;
	_ =	strace $0x90000049  }
0xb3: {  	s29 =	simm.s32 $0x9;
	_ =	strace $0x8000004B  }
0xb4: {  	_ =	swait.ge [sflag:s29], $0x1  }
0xb5: {  	[sflag:s29] =	ssyncadd.s32 $0xFFFFFFFF  }
0xb6: {  	_ =	strace $0x9000004B  }
0xb7: {  	_ =	sfence  }
0xb8: {  	s30 =	sld [smem:$0x0];
	_ =	sdelay $0x2  }
0xb9: {  	s31 =	sshll.u32 s1, $0xD;
	s1 =	sshrl.u32 s1, $0x2  }
0xba: {  	s3 =	sand.u32 $0x4000, s31;
	s1 =	sadd.s32 s1, s30  }
0xbb: {  	s0 =	sor.u32 s3, s0;
	s1 =	sshll.u32 s1, $0x11  }
0xbc: {  	s0 =	sor.u32 s1, s0  }
0xbd: {  	s0 =	sadd.s32 $0x8F2B, s0  }
0xbe: {  	[sflag:s0] =	ssyncadd.remote.s32 $0x1  }
0xbf: {  	_ =	sfence.sel $0xFFFF  }
0xc0: {  	[dreg:$0x0] =	wrdreg $0xFFFFFFFF;
	(pc) =	sbr.abs _section_cstart, $3  }
0xc1: {  	[dreg:$0x1] =	wrdreg $0xFFFFFFFF  }
0xc2: {  	_ =	task.clear_ibuf [dreg:s7], $0x2FFFF;
	_ =	strace $0x9FFFFFFF  }
0xc3: {  	(tm) =	ssettm $0x7FFFFFFF  }
tec
execute0_lowered:
.L_overlay_start_1:
0x0: {  	(tag) =	ssettag $0x1  }
0x1: {  	s6 =	rddreg [dreg:$0x0]  }
0x2: {  	s1 =	srdreg.scid;
	s7 =	rddreg [dreg:$0x1]  }
0x3: {  	s0 =	stileid.u32;
	s2 =	rddreg [dreg:$0x2];
	s3 =	simm.s32 $0x0  }
0x4: {  	s21 =	simm.s32 $0x5000;
	s22 =	simm.s32 $0x80;
	s23 =	simm.s32 $0x1  }
0x5: {  	s24 =	simm.s32 $0x0;
	s9 =	sand.u32 $0x1, s1;
	s1 =	rddreg [dreg:$0x3]  }
0x6: {  	s28 =	sshll.u32 s0, $0x1;
	[smem:$0x7FF] =	sst s3;
	s12 =	smul.u32 $0x50000, s0  }
0x7: {  	s5 =	sadd.s32 $0x1400, s6;
	s17 =	sadd.s32 $0x84400, s6;
	s13 =	smul.u32 $0x14000, s0  }
0x8: {  	s4 =	sor.u32 s9, s28;
	_ =	strace $0x8000004A;
	s19 =	smul.u32 $0x140000, s9  }
0x9: {  	s11 =	ssub.s32 $0x2, s9;
	s8 =	smul.u32 $0x500, s4;
	s4 =	sadd.s32 $0x5C400, s6  }
0xa: {  	s29 =	sshrl.u32 s11, $0x1;
	s30 =	sshrl.u32 s12, $0x2;
	s31 =	sadd.s32 $0x4000, s13  }
0xb: {  	s15 =	sadd.s32 $0x8000, s13;
	s16 =	sadd.s32 $0xC000, s13;
	s20 =	sadd.s32 $0x10000, s13  }
0xc: {  	s18 =	ssub.s32 s11, s29;
	s9 =	sadd.s32 s31, s2;
	s11 =	sadd.s32 s16, s2  }
0xd: {  	s13 =	sadd.s32 s13, s19;
	s14 =	sadd.s32 s19, s31;
	s12 =	sadd.s32 s20, s2  }
0xe: {  	s16 =	sadd.s32 s19, s16;
	s10 =	sadd.s32 s8, s6;
	s7 =	sadd.s32 s7, s8  }
0xf: {  	s8 =	sadd.s32 s30, s2;
	s13 =	sshrl.u32 s13, $0x3;
	s14 =	sshrl.u32 s14, $0x3  }
0x10: {  	s16 =	sshrl.u32 s16, $0x3;
	s18 =	smax.u32 s18, $0x1;
	s6 =	sadd.s32 $0x52400, s10  }
0x11: {  	s10 =	sadd.s32 s15, s2;
	s13 =	sadd.s32 s17, s13;
	s14 =	sadd.s32 s17, s14  }
0x12: {  	s15 =	sadd.s32 s19, s15;
	s19 =	sadd.s32 s19, s20;
	s16 =	sadd.s32 s17, s16  }
0x13: {  	s20 =	simm.s32 $0x2800;
	s15 =	sshrl.u32 s15, $0x3;
	s19 =	sshrl.u32 s19, $0x3  }
0x14: {  	s15 =	sadd.s32 s17, s15;
	s17 =	sadd.s32 s17, s19;
	s19 =	simm.s32 $0x2  }
.LBB2_1:
0x15: {  	[tilespmem:s3], [sflag:$0x2] =	stream.linear.gather [hbm4b:s6+s3], $0x2780, $0x38;
	[tilespmem:$0x1D000] =	vst v63  }
0x16: {  	_ =	swait.ge [sflag:s19], $0x2780  }
0x17: {  	[sflag:s19] =	ssyncset.done $0x0  }
0x18: {  	[sflag:s19] =	ssyncadd.s32 $0xFFFFD880  }
0x19: {  	[tilespmem:s20], [sflag:$0x2] =	stream.linear.gather [hbm4b:s7+s3], $0x2780, $0x38;
	[tilespmem:$0x1D000] =	vst v63  }
0x1a: {  	_ =	swait.ge [sflag:s19], $0x2780  }
0x1b: {  	[sflag:s19] =	ssyncset.done $0x0  }
0x1c: {  	[sflag:s19] =	ssyncadd.s32 $0xFFFFD880  }
0x1d: {  	[tilespmem:s21], [sflag:$0x2] =	stream.linear.gather [hbm4b:s5+s3], $0x4000, $0x38;
	[tilespmem:$0x1D000] =	vst v63  }
0x1e: {  	_ =	swait.ge [sflag:s19], $0x4000  }
0x1f: {  	[sflag:s19] =	ssyncset.done $0x0  }
0x20: {  	[sflag:s19] =	ssyncadd.s32 $0xFFFFC000  }
0x21: {  	[spmem:s8] =	stream.linear.scatter [tilespmem:s21], [sflag:$0x2], $0x4000, $0x38;
	[tilespmem:$0x1D000] =	vst v63  }
0x22: {  	_ =	swait.ge [sflag:s19], $0x4000  }
0x23: {  	[sflag:s19] =	ssyncset.done $0x0  }
0x24: {  	[sflag:s19] =	ssyncadd.s32 $0xFFFFC000  }
0x25: {  	[spmem:s9] =	stream.linear.scatter [tilespmem:s21], [sflag:$0x2], $0x4000, $0x38;
	[tilespmem:$0x1D000] =	vst v63  }
0x26: {  	_ =	swait.ge [sflag:s19], $0x4000  }
0x27: {  	[sflag:s19] =	ssyncset.done $0x0  }
0x28: {  	[sflag:s19] =	ssyncadd.s32 $0xFFFFC000  }
0x29: {  	[spmem:s10] =	stream.linear.scatter [tilespmem:s21], [sflag:$0x2], $0x4000, $0x38;
	[tilespmem:$0x1D000] =	vst v63  }
0x2a: {  	_ =	swait.ge [sflag:s19], $0x4000  }
0x2b: {  	[sflag:s19] =	ssyncset.done $0x0  }
0x2c: {  	[sflag:s19] =	ssyncadd.s32 $0xFFFFC000  }
0x2d: {  	[spmem:s11] =	stream.linear.scatter [tilespmem:s21], [sflag:$0x2], $0x4000, $0x38;
	[tilespmem:$0x1D000] =	vst v63  }
0x2e: {  	_ =	swait.ge [sflag:s19], $0x4000  }
0x2f: {  	[sflag:s19] =	ssyncset.done $0x0  }
0x30: {  	[sflag:s19] =	ssyncadd.s32 $0xFFFFC000  }
0x31: {  	[spmem:s12] =	stream.linear.scatter [tilespmem:s21], [sflag:$0x2], $0x4000, $0x38;
	[tilespmem:$0x1D000] =	vst v63  }
0x32: {  	_ =	swait.ge [sflag:s19], $0x4000  }
0x33: {  	[sflag:s19] =	ssyncset.done $0x0  }
0x34: {  	[sflag:s19] =	ssyncadd.s32 $0xFFFFC000  }
0x35: {  	s25 =	simm.s32 $0x0;
	[bflag:$0x0] =	sbarrier.arrive $0xFFFF  }
0x36: {  	[tilespmem:s21], [sflag:$0x1] =	stream.indirect.gather [hbm4b:s4+s22], $0x80, s25, s22, $0xb8;
	[tilespmem:$0x1D000] =	vst v63  }
0x37: {  	_ =	swait.ge [sflag:s23], $0x4000  }
0x38: {  	[sflag:s23] =	ssyncset.done $0x0  }
0x39: {  	s31 =	simm.s32 $0x2800;
	[sflag:s23] =	ssyncadd.s32 $0xFFFFC000  }
0x3a: {  	[spmem:s2] =	stream.indirect.scatter.add.f32 [tilespmem:s21], [sflag:$0x2], $0x80, s31, s22, $0xb8;
	[tilespmem:$0x1D000] =	vst v63  }
0x3b: {  	_ =	swait.ge [sflag:s19], $0x4000  }
0x3c: {  	s26 =	simm.s32 $0x400;
	s25 =	simm.s32 $0x200;
	[sflag:s19] =	ssyncset.done $0x0  }
.LBB2_2:
0x3d: {  	s28 =	sshra.s32 s25, $0x2  }
0x3e: {  	[sflag:s19] =	ssyncadd.s32 $0xFFFFC000;
	s25 =	smov.u32 s26;
	s29 =	sadd.s32 $0x200, s26  }
0x3f: {  	[tilespmem:s21], [sflag:$0x1] =	stream.indirect.gather [hbm4b:s4+s22], $0x80, s28, s22, $0xb8;
	[tilespmem:$0x1D000] =	vst v63  }
0x40: {  	p0 =	sne.s32 s26, $0x9C00;
	_ =	swait.ge [sflag:s23], $0x4000  }
.Ltmp0:
0x41: {  	[sflag:s23] =	ssyncset.done $0x0;
	(pc) =	sbr.rel @p0 .LBB2_2-.Ltmp0, $4  }
0x42: {  	s26 =	sadd.s32 $0x2800, s28;
	[sflag:s23] =	ssyncadd.s32 $0xFFFFC000  }
0x43: {  	[spmem:s2] =	stream.indirect.scatter.add.f32 [tilespmem:s21], [sflag:$0x2], $0x80, s26, s22, $0xb8;
	[tilespmem:$0x1D000] =	vst v63  }
0x44: {  	_ =	swait.ge [sflag:s19], $0x4000  }
0x45: {  	s26 =	smov.u32 s29;
	[sflag:s19] =	ssyncset.done $0x0  }
0x46: {  	s25 =	sshra.s32 s25, $0x2;
	[sflag:s19] =	ssyncadd.s32 $0xFFFFC000  }
0x47: {  	[tilespmem:s21], [sflag:$0x1] =	stream.indirect.gather [hbm4b:s4+s22], $0x80, s25, s22, $0xb8;
	[tilespmem:$0x1D000] =	vst v63  }
0x48: {  	_ =	swait.ge [sflag:s23], $0x4000  }
0x49: {  	[sflag:s23] =	ssyncset.done $0x0  }
0x4a: {  	s25 =	sadd.s32 $0x2800, s25;
	[sflag:s23] =	ssyncadd.s32 $0xFFFFC000  }
0x4b: {  	[spmem:s2] =	stream.indirect.scatter.add.f32 [tilespmem:s21], [sflag:$0x2], $0x80, s25, s22, $0xb8;
	[tilespmem:$0x1D000] =	vst v63  }
0x4c: {  	_ =	swait.ge [sflag:s19], $0x4000  }
0x4d: {  	[sflag:s19] =	ssyncset.done $0x0  }
0x4e: {  	[sflag:s19] =	ssyncadd.s32 $0xFFFFC000  }
0x4f: {  	[bflag:$0x0] =	sbarrier.arrive $0xFFFF  }
0x50: {  	[tilespmem:s21], [sflag:$0x2] =	stream.linear.gather [spmem:s8], $0x4000, $0x38;
	[tilespmem:$0x1D000] =	vst v63  }
0x51: {  	_ =	swait.ge [sflag:s19], $0x4000  }
0x52: {  	[sflag:s19] =	ssyncset.done $0x0  }
0x53: {  	[sflag:s19] =	ssyncadd.s32 $0xFFFFC000  }
0x54: {  	[hbm4b:s13+s3] =	stream.linear.scatter [tilespmem:s21], [sflag:$0x2], $0x4000, $0x38;
	[tilespmem:$0x1D000] =	vst v63  }
0x55: {  	_ =	swait.ge [sflag:s19], $0x4000  }
0x56: {  	[sflag:s19] =	ssyncset.done $0x0  }
0x57: {  	[sflag:s19] =	ssyncadd.s32 $0xFFFFC000  }
0x58: {  	[tilespmem:s21], [sflag:$0x2] =	stream.linear.gather [spmem:s9], $0x4000, $0x38;
	[tilespmem:$0x1D000] =	vst v63  }
0x59: {  	_ =	swait.ge [sflag:s19], $0x4000  }
0x5a: {  	[sflag:s19] =	ssyncset.done $0x0  }
0x5b: {  	[sflag:s19] =	ssyncadd.s32 $0xFFFFC000  }
0x5c: {  	[hbm4b:s14+s3] =	stream.linear.scatter [tilespmem:s21], [sflag:$0x2], $0x4000, $0x38;
	[tilespmem:$0x1D000] =	vst v63  }
0x5d: {  	_ =	swait.ge [sflag:s19], $0x4000  }
0x5e: {  	[sflag:s19] =	ssyncset.done $0x0  }
0x5f: {  	[sflag:s19] =	ssyncadd.s32 $0xFFFFC000  }
0x60: {  	[tilespmem:s21], [sflag:$0x2] =	stream.linear.gather [spmem:s10], $0x4000, $0x38;
	[tilespmem:$0x1D000] =	vst v63  }
0x61: {  	_ =	swait.ge [sflag:s19], $0x4000  }
0x62: {  	[sflag:s19] =	ssyncset.done $0x0  }
0x63: {  	[sflag:s19] =	ssyncadd.s32 $0xFFFFC000  }
0x64: {  	[hbm4b:s15+s3] =	stream.linear.scatter [tilespmem:s21], [sflag:$0x2], $0x4000, $0x38;
	[tilespmem:$0x1D000] =	vst v63  }
0x65: {  	_ =	swait.ge [sflag:s19], $0x4000  }
0x66: {  	[sflag:s19] =	ssyncset.done $0x0  }
0x67: {  	[sflag:s19] =	ssyncadd.s32 $0xFFFFC000  }
0x68: {  	[tilespmem:s21], [sflag:$0x2] =	stream.linear.gather [spmem:s11], $0x4000, $0x38;
	[tilespmem:$0x1D000] =	vst v63  }
0x69: {  	_ =	swait.ge [sflag:s19], $0x4000  }
0x6a: {  	[sflag:s19] =	ssyncset.done $0x0  }
0x6b: {  	[sflag:s19] =	ssyncadd.s32 $0xFFFFC000  }
0x6c: {  	[hbm4b:s16+s3] =	stream.linear.scatter [tilespmem:s21], [sflag:$0x2], $0x4000, $0x38;
	[tilespmem:$0x1D000] =	vst v63  }
0x6d: {  	_ =	swait.ge [sflag:s19], $0x4000  }
0x6e: {  	[sflag:s19] =	ssyncset.done $0x0  }
0x6f: {  	[sflag:s19] =	ssyncadd.s32 $0xFFFFC000  }
0x70: {  	[tilespmem:s21], [sflag:$0x2] =	stream.linear.gather [spmem:s12], $0x4000, $0x38;
	[tilespmem:$0x1D000] =	vst v63  }
0x71: {  	s24 =	sadd.s32 $0x1, s24;
	_ =	swait.ge [sflag:s19], $0x4000  }
0x72: {  	p0 =	sne.s32 s24, s18;
	[sflag:s19] =	ssyncset.done $0x0  }
.Ltmp1:
0x73: {  	[sflag:s19] =	ssyncadd.s32 $0xFFFFC000;
	(pc) =	sbr.rel @p0 .LBB2_1-.Ltmp1, $4  }
0x74: {  	[hbm4b:s17+s3] =	stream.linear.scatter [tilespmem:s21], [sflag:$0x2], $0x4000, $0x38;
	[tilespmem:$0x1D000] =	vst v63  }
0x75: {  	_ =	swait.ge [sflag:s19], $0x4000  }
0x76: {  	[sflag:s19] =	ssyncset.done $0x0  }
0x77: {  	[sflag:s19] =	ssyncadd.s32 $0xFFFFC000  }
0x78: {  	_ =	sfence.sel $0x180000  }
0x79: {  	[bflag:$0x0] =	sbarrier.arrive $0xFFFF  }
0x7a: {  	p0 =	sne.s32 s0, $0x0;
	_ =	strace $0x9000004A  }
0x7b: {  	s0 =	sadd.s32 @!p0 $0x100000, s1;
	[bflag:$0x2] =	sbarrier.arrive $0xFFFF  }
0x7c: {  	[sflag:s0] =	ssyncadd.tile.s32 @!p0 $0x1;
	_ =	shalt  }
.Lfunc_end2:
_tile_overlayer_lowered:
.L_overlay_start_2:
0x7d: {  	(tag) =	ssettag $0x2  }
0x7e: {  	s0 =	rddreg [dreg:$0x0];
	s2 =	stileid.u32  }
0x7f: {  	s1 =	rddreg [dreg:$0x1];
	p0 =	sne.s32 s2, $0x0  }
0x80: {  	s3 =	rddreg [dreg:$0x2];
	[bflag:$0x3] =	sbarrier.arrive $0xFFFF;
	s2 =	simm.s32 @!p0 $0x1C02  }
0x81: {  	[timem:s3], [sflag:s2] =	dma.local @!p0 [hbm:s0], s1  }
0x82: {  	s0 =	simm.s32 @!p0 $0x2  }
0x83: {  	_ =	swait.ge @!p0 [sflag:s0], s1  }
0x84: {  	s1 =	ssub.s32 @!p0 $0x0, s1;
	[sflag:s0] =	ssyncset.done @!p0 $0x0  }
0x85: {  	[sflag:s0] =	ssyncadd.s32 @!p0 s1  }
0x86: {  	[bflag:$0x3] =	sbarrier.arrive $0xFFFF  }
0x87: {  	_ =	shalt  }

</sc_bundles>
